<compile_context>
chip_gen: v7x
topology: tpu7x:2x2x1
jax: 0.10.2.dev20260603
libtpu: 0.0.44.dev20260713+nightly
codegen_flags: <defaults>
</compile_context>

<pallas_src>
import jax
import jax.numpy as jnp
from jax.experimental import pallas as pl
from jax.experimental.pallas import tpu as pltpu

D = 768; ED = 256; E = 8; TOPK = 2; DEP = 2; EDEP = 3; NH = 12; DH = 64
V = 20000; P = 16; IMG = 224; FF = 2 * D

BM = 128
N_TOK = 196 + 2048
A = TOPK * N_TOK
L_PAD = ((A + E * (BM - 1) + BM - 1) // BM) * BM
G_TILES = L_PAD // BM


def _ln(x, g, b):
    m = x.mean(-1, keepdims=True)
    v = ((x - m) ** 2).mean(-1, keepdims=True)
    return (x - m) / jnp.sqrt(v + 1e-5) * g + b


def _gn1(x, g, b):
    m = x.mean(axis=(1, 2, 3), keepdims=True)
    v = ((x - m) ** 2).mean(axis=(1, 2, 3), keepdims=True)
    return (x - m) / jnp.sqrt(v + 1e-5) * g[None, :, None, None] + b[None, :, None, None]


def _silu(x):
    return x * jax.nn.sigmoid(x)


def _conv(x, w, b):
    y = jax.lax.conv_general_dilated(x, w, (1, 1), 'SAME',
                                     dimension_numbers=('NCHW', 'OIHW', 'NCHW'))
    return y + b[None, :, None, None]



import functools as _ft


def _moe_tile_kernel(prec, te_ref, xs_ref, w1_ref, b1_ref, w2_ref, b2_ref,
                     wp_ref, out_ref):
    del te_ref
    x = xs_ref[...]
    h = jnp.dot(x, w1_ref[0], preferred_element_type=jnp.float32,
                precision=prec) + b1_ref[0, 0]
    h = h * jax.nn.sigmoid(h)
    y = jnp.dot(h, w2_ref[0], preferred_element_type=jnp.float32,
                precision=prec) + b2_ref[0, 0]
    out_ref[...] = y * wp_ref[...]


def _moe_layer(xt, gate_w, gate_b, w1, b1, w2, b2, prec):
    n = xt.shape[0]
    gl = xt @ gate_w + gate_b
    topv, topi = jax.lax.top_k(gl, TOPK)
    wts = jax.nn.softmax(topv, axis=-1)

    e_flat = topi.reshape(-1).astype(jnp.int32)
    w_flat = wts.reshape(-1)

    key = e_flat * 8192 + jnp.arange(A, dtype=jnp.int32)
    key_sorted = jax.lax.sort(key)
    a_sorted = key_sorted & 8191
    t_sorted = a_sorted // TOPK
    w_sorted = w_flat[a_sorted]

    onehot = (e_flat[:, None] == jnp.arange(E, dtype=jnp.int32)[None, :])
    onehot = onehot.astype(jnp.int32)
    counts = onehot.sum(0)
    rank = ((jnp.cumsum(onehot, axis=0) - onehot) * onehot).sum(1)

    padded = ((counts + BM - 1) // BM) * BM
    pad_cum = jnp.cumsum(padded)
    pad_off = pad_cum - padded
    grp_off = jnp.cumsum(counts) - counts

    slots = jnp.arange(L_PAD, dtype=jnp.int32)
    slot_e = jnp.minimum(jnp.searchsorted(pad_cum, slots, side='right'),
                         E - 1).astype(jnp.int32)
    in_grp = slots - pad_off[slot_e]
    valid = in_grp < counts[slot_e]
    jj = jnp.minimum(grp_off[slot_e] + in_grp, A - 1)
    token_pad = jnp.where(valid, t_sorted[jj], 0)
    w_pad = jnp.where(valid, w_sorted[jj], 0.0)

    dpos = (pad_off[e_flat] + rank).reshape(n, TOPK)

    tile_start = jnp.arange(G_TILES, dtype=jnp.int32) * BM
    tile_e = jnp.searchsorted(pad_cum, tile_start, side='right')
    tile_e = jnp.minimum(tile_e, E - 1).astype(jnp.int32)

    xs_pad = xt[token_pad]

    out_pad = pl.pallas_call(
        _ft.partial(_moe_tile_kernel, prec),
        grid_spec=pltpu.PrefetchScalarGridSpec(
            num_scalar_prefetch=1,
            grid=(G_TILES,),
            in_specs=[
                pl.BlockSpec((BM, D), lambda t, te: (t, 0)),
                pl.BlockSpec((1, D, FF), lambda t, te: (te[t], 0, 0)),
                pl.BlockSpec((1, 1, FF), lambda t, te: (te[t], 0, 0)),
                pl.BlockSpec((1, FF, D), lambda t, te: (te[t], 0, 0)),
                pl.BlockSpec((1, 1, D), lambda t, te: (te[t], 0, 0)),
                pl.BlockSpec((BM, 1), lambda t, te: (t, 0)),
            ],
            out_specs=pl.BlockSpec((BM, D), lambda t, te: (t, 0)),
        ),
        out_shape=jax.ShapeDtypeStruct((L_PAD, D), jnp.float32),
    )(tile_e, xs_pad, w1, b1[:, None, :], w2, b2[:, None, :], w_pad[:, None])

    moe_out = out_pad[dpos[:, 0]] + out_pad[dpos[:, 1]]
    return moe_out


_PREC = [jax.lax.Precision.HIGHEST] * (DEP - 1) + [jax.lax.Precision.DEFAULT]



def kernel(text, img, emb, patch_w, patch_b, enc_ln1_g, enc_ln1_b, enc_wq,
           enc_wk, enc_wv, enc_wo, enc_ln2_g, enc_ln2_b, enc_w1, enc_b1,
           enc_w2, enc_b2, cab_c1_w, cab_c1_b, cab_n1_g, cab_n1_b, cab_c2_w,
           cab_c2_b, cab_n2_g, cab_n2_b, proj_w, proj_b, dec_wq, dec_wk,
           dec_wv, dec_wo, gate_w, gate_b, moe_w1, moe_b1, moe_w2, moe_b2):
    B, S = text.shape
    x_txt = jnp.take(emb, text, axis=0)
    Hs = IMG // P
    n_img = Hs * Hs
    patches = img.reshape(B, 3, Hs, P, Hs, P).transpose(0, 2, 4, 1, 3, 5)
    patches = patches.reshape(B, n_img, 3 * P * P)
    h = patches @ patch_w + patch_b
    eh_heads = 4
    ehd = ED // eh_heads
    for i in range(EDEP):
        hn = _ln(h, enc_ln1_g[i], enc_ln1_b[i])
        q = (hn @ enc_wq[i]).reshape(B, n_img, eh_heads, ehd).transpose(0, 2, 1, 3)
        k = (hn @ enc_wk[i]).reshape(B, n_img, eh_heads, ehd).transpose(0, 2, 1, 3)
        v = (hn @ enc_wv[i]).reshape(B, n_img, eh_heads, ehd).transpose(0, 2, 1, 3)
        a = jax.nn.softmax(q @ k.transpose(0, 1, 3, 2) / jnp.sqrt(float(ehd)), axis=-1)
        o = (a @ v).transpose(0, 2, 1, 3).reshape(B, n_img, ED) @ enc_wo[i]
        h = h + o
        hn2 = _ln(h, enc_ln2_g[i], enc_ln2_b[i])
        h = h + jax.nn.gelu(hn2 @ enc_w1[i] + enc_b1[i]) @ enc_w2[i] + enc_b2[i]
    g = h.transpose(0, 2, 1).reshape(B, ED, Hs, Hs)

    def resblock(z):
        h1 = _silu(_gn1(_conv(z, cab_c1_w, cab_c1_b), cab_n1_g, cab_n1_b))
        h2 = _silu(_gn1(_conv(h1, cab_c2_w, cab_c2_b), cab_n2_g, cab_n2_b))
        return h2 + z

    g = resblock(g)
    g = resblock(g)
    img_tok = g.reshape(B, ED, n_img).transpose(0, 2, 1) @ proj_w + proj_b
    x = jnp.concatenate([img_tok, x_txt], axis=1)
    T = x.shape[1]
    cmask = jnp.tril(jnp.ones((T, T), dtype=bool))
    for i in range(DEP):
        q = (x @ dec_wq[i]).reshape(B, T, NH, DH).transpose(0, 2, 1, 3)
        k = (x @ dec_wk[i]).reshape(B, T, NH, DH).transpose(0, 2, 1, 3)
        v = (x @ dec_wv[i]).reshape(B, T, NH, DH).transpose(0, 2, 1, 3)
        q = q / (jnp.linalg.norm(q, axis=-1, keepdims=True) + 1e-6)
        k = k / (jnp.linalg.norm(k, axis=-1, keepdims=True) + 1e-6)
        logits = (q @ k.transpose(0, 1, 3, 2)) * 10.0
        logits = jnp.where(cmask[None, None, :, :], logits, -1e9)
        a = jax.nn.softmax(logits, axis=-1)
        ao = (a @ v).transpose(0, 2, 1, 3).reshape(B, T, NH * DH) @ dec_wo[i]
        attn = ao + x
        xt = x.reshape(B * T, D)
        moe_out = _moe_layer(xt, gate_w[i], gate_b[i],
                             moe_w1[i], moe_b1[i], moe_w2[i], moe_b2[i],
                             _PREC[i])
        x = attn + moe_out.reshape(B, T, D)
    return x

# --- scband reference (transcript-rebuilt; emitter-appended) ---
"""Pipeline reference for scband-mm1-14405320311564 (READ-ONLY COPY).

The authoritative reference and input builder live on the scoring server;
editing this copy changes nothing except your own understanding.
"""

import jax, jax.numpy as jnp
import numpy as np

D = 768; ED = 256; E = 8; TOPK = 2; DEP = 2; EDEP = 3; NH = 12; DH = 64; V = 20000; P = 16; IMG = 224; FF = 2 * D

def _ln(x, g, b):
    m = x.mean(-1, keepdims=True)
    v = ((x - m) ** 2).mean(-1, keepdims=True)
    return (x - m) / jnp.sqrt(v + 1e-5) * g + b

def _gn1(x, g, b):
    m = x.mean(axis=(1, 2, 3), keepdims=True)
    v = ((x - m) ** 2).mean(axis=(1, 2, 3), keepdims=True)
    return (x - m) / jnp.sqrt(v + 1e-5) * g[None, :, None, None] + b[None, :, None, None]

def _silu(x):
    return x * jax.nn.sigmoid(x)

def _conv(x, w, b):
    y = jax.lax.conv_general_dilated(x, w, (1, 1), 'SAME', dimension_numbers=('NCHW', 'OIHW', 'NCHW'))
    return y + b[None, :, None, None]

def setup_inputs(seed: int = 0):
    key = jax.random.key(seed)
    ks = iter(jax.random.split(key, 64))
    def nrm(shape, s=0.02):
        return jax.random.normal(next(ks), shape, dtype=jnp.float32) * s
    inp = {}
    inp['text'] = jax.random.randint(next(ks), (1, 2048), 0, V)
    inp['img'] = jax.random.normal(next(ks), (1, 3, IMG, IMG), dtype=jnp.float32)
    inp['emb'] = nrm((V, D))
    inp['patch_w'] = nrm((3 * P * P, ED)); inp['patch_b'] = jnp.zeros((ED,), jnp.float32)
    inp['enc_ln1_g'] = jnp.ones((EDEP, ED), jnp.float32); inp['enc_ln1_b'] = jnp.zeros((EDEP, ED), jnp.float32)
    inp['enc_wq'] = nrm((EDEP, ED, ED)); inp['enc_wk'] = nrm((EDEP, ED, ED)); inp['enc_wv'] = nrm((EDEP, ED, ED)); inp['enc_wo'] = nrm((EDEP, ED, ED))
    inp['enc_ln2_g'] = jnp.ones((EDEP, ED), jnp.float32); inp['enc_ln2_b'] = jnp.zeros((EDEP, ED), jnp.float32)
    inp['enc_w1'] = nrm((EDEP, ED, 4 * ED)); inp['enc_b1'] = jnp.zeros((EDEP, 4 * ED), jnp.float32)
    inp['enc_w2'] = nrm((EDEP, 4 * ED, ED)); inp['enc_b2'] = jnp.zeros((EDEP, ED), jnp.float32)
    inp['cab_c1_w'] = nrm((ED, ED, 3, 3)); inp['cab_c1_b'] = jnp.zeros((ED,), jnp.float32)
    inp['cab_n1_g'] = jnp.ones((ED,), jnp.float32); inp['cab_n1_b'] = jnp.zeros((ED,), jnp.float32)
    inp['cab_c2_w'] = nrm((ED, ED, 3, 3)); inp['cab_c2_b'] = jnp.zeros((ED,), jnp.float32)
    inp['cab_n2_g'] = jnp.ones((ED,), jnp.float32); inp['cab_n2_b'] = jnp.zeros((ED,), jnp.float32)
    inp['proj_w'] = nrm((ED, D)); inp['proj_b'] = jnp.zeros((D,), jnp.float32)
    inp['dec_wq'] = nrm((DEP, D, NH * DH)); inp['dec_wk'] = nrm((DEP, D, NH * DH)); inp['dec_wv'] = nrm((DEP, D, NH * DH)); inp['dec_wo'] = nrm((DEP, NH * DH, D))
    inp['gate_w'] = nrm((DEP, D, E)); inp['gate_b'] = jnp.zeros((DEP, E), jnp.float32)
    inp['moe_w1'] = nrm((DEP, E, D, FF)); inp['moe_b1'] = jnp.zeros((DEP, E, FF), jnp.float32)
    inp['moe_w2'] = nrm((DEP, E, FF, D)); inp['moe_b2'] = jnp.zeros((DEP, E, D), jnp.float32)
    return inp

def _forward(text, img, emb, patch_w, patch_b, enc_ln1_g, enc_ln1_b, enc_wq, enc_wk, enc_wv, enc_wo, enc_ln2_g, enc_ln2_b, enc_w1, enc_b1, enc_w2, enc_b2, cab_c1_w, cab_c1_b, cab_n1_g, cab_n1_b, cab_c2_w, cab_c2_b, cab_n2_g, cab_n2_b, proj_w, proj_b, dec_wq, dec_wk, dec_wv, dec_wo, gate_w, gate_b, moe_w1, moe_b1, moe_w2, moe_b2):
    B, S = text.shape
    x_txt = jnp.take(emb, text, axis=0)
    Hs = IMG // P
    n_img = Hs * Hs
    patches = img.reshape(B, 3, Hs, P, Hs, P).transpose(0, 2, 4, 1, 3, 5).reshape(B, n_img, 3 * P * P)
    h = patches @ patch_w + patch_b
    eh_heads = 4; ehd = ED // eh_heads
    for i in range(EDEP):
        hn = _ln(h, enc_ln1_g[i], enc_ln1_b[i])
        q = (hn @ enc_wq[i]).reshape(B, n_img, eh_heads, ehd).transpose(0, 2, 1, 3)
        k = (hn @ enc_wk[i]).reshape(B, n_img, eh_heads, ehd).transpose(0, 2, 1, 3)
        v = (hn @ enc_wv[i]).reshape(B, n_img, eh_heads, ehd).transpose(0, 2, 1, 3)
        a = jax.nn.softmax(q @ k.transpose(0, 1, 3, 2) / jnp.sqrt(float(ehd)), axis=-1)
        o = (a @ v).transpose(0, 2, 1, 3).reshape(B, n_img, ED) @ enc_wo[i]
        h = h + o
        hn2 = _ln(h, enc_ln2_g[i], enc_ln2_b[i])
        h = h + jax.nn.gelu(hn2 @ enc_w1[i] + enc_b1[i]) @ enc_w2[i] + enc_b2[i]
    g = h.transpose(0, 2, 1).reshape(B, ED, Hs, Hs)
    def resblock(z):
        h1 = _silu(_gn1(_conv(z, cab_c1_w, cab_c1_b), cab_n1_g, cab_n1_b))
        h2 = _silu(_gn1(_conv(h1, cab_c2_w, cab_c2_b), cab_n2_g, cab_n2_b))
        return h2 + z
    g = resblock(g)
    g = resblock(g)
    img_tok = g.reshape(B, ED, n_img).transpose(0, 2, 1) @ proj_w + proj_b
    x = jnp.concatenate([img_tok, x_txt], axis=1)
    T = x.shape[1]
    cmask = jnp.tril(jnp.ones((T, T), dtype=bool))
    for i in range(DEP):
        q = (x @ dec_wq[i]).reshape(B, T, NH, DH).transpose(0, 2, 1, 3)
        k = (x @ dec_wk[i]).reshape(B, T, NH, DH).transpose(0, 2, 1, 3)
        v = (x @ dec_wv[i]).reshape(B, T, NH, DH).transpose(0, 2, 1, 3)
        q = q / (jnp.linalg.norm(q, axis=-1, keepdims=True) + 1e-6)
        k = k / (jnp.linalg.norm(k, axis=-1, keepdims=True) + 1e-6)
        logits = (q @ k.transpose(0, 1, 3, 2)) * 10.0
        logits = jnp.where(cmask[None, None, :, :], logits, -1e9)
        a = jax.nn.softmax(logits, axis=-1)
        ao = (a @ v).transpose(0, 2, 1, 3).reshape(B, T, NH * DH) @ dec_wo[i]
        attn = ao + x
        xt = x.reshape(B * T, D)
        gl = xt @ gate_w[i] + gate_b[i]
        topv, topi = jax.lax.top_k(gl, TOPK)
        wts = jax.nn.softmax(topv, axis=-1)
        full = jnp.zeros(gl.shape, gl.dtype).at[jnp.arange(xt.shape[0])[:, None], topi].set(wts)
        ehid = _silu(jnp.einsum('nd,edh->enh', xt, moe_w1[i]) + moe_b1[i][:, None, :])
        eout = jnp.einsum('enh,ehd->end', ehid, moe_w2[i]) + moe_b2[i][:, None, :]
        moe_out = jnp.einsum('ne,end->nd', full, eout).reshape(B, T, D)
        x = attn + moe_out
    return x

def reference(text, img, emb, patch_w, patch_b, enc_ln1_g, enc_ln1_b, enc_wq, enc_wk, enc_wv, enc_wo, enc_ln2_g, enc_ln2_b, enc_w1, enc_b1, enc_w2, enc_b2, cab_c1_w, cab_c1_b, cab_n1_g, cab_n1_b, cab_c2_w, cab_c2_b, cab_n2_g, cab_n2_b, proj_w, proj_b, dec_wq, dec_wk, dec_wv, dec_wo, gate_w, gate_b, moe_w1, moe_b1, moe_w2, moe_b2):
    return _forward(text, img, emb, patch_w, patch_b, enc_ln1_g, enc_ln1_b, enc_wq, enc_wk, enc_wv, enc_wo, enc_ln2_g, enc_ln2_b, enc_w1, enc_b1, enc_w2, enc_b2, cab_c1_w, cab_c1_b, cab_n1_g, cab_n1_b, cab_c2_w, cab_c2_b, cab_n2_g, cab_n2_b, proj_w, proj_b, dec_wq, dec_wk, dec_wv, dec_wo, gate_w, gate_b, moe_w1, moe_b1, moe_w2, moe_b2)

if __name__ == "__main__":
    import jax
    _d = setup_inputs()
    print(jax.jit(kernel)(*tuple(_d.values())))

</pallas_src>

<mosaic_0001>
module attributes {stable_mosaic.version = 14 : i64} {
  func.func @_moe_tile_kernel(%arg0: i32, %arg1: memref<43xi32, #tpu.memory_space<smem>>, %arg2: memref<128x768xf32, #tpu.memory_space<vmem>>, %arg3: memref<1x768x1536xf32, #tpu.memory_space<vmem>>, %arg4: memref<1x1x1536xf32, #tpu.memory_space<vmem>>, %arg5: memref<1x1536x768xf32, #tpu.memory_space<vmem>>, %arg6: memref<1x1x768xf32, #tpu.memory_space<vmem>>, %arg7: memref<128x1xf32, #tpu.memory_space<vmem>>, %arg8: memref<128x768xf32, #tpu.memory_space<vmem>>) attributes {dimension_semantics = [#tpu.dimension_semantics<arbitrary>], iteration_bounds = array<i64: 43>, scalar_prefetch = 1 : i64, scratch_operands = 0 : i64, tpu.core_type = #tpu.core_type<tc>, window_params = [{transform_indices = @transform_0, window_bounds = array<i64: 128, 768>}, {transform_indices = @transform_1, window_bounds = array<i64: 1, 768, 1536>}, {transform_indices = @transform_2, window_bounds = array<i64: 1, 1, 1536>}, {transform_indices = @transform_3, window_bounds = array<i64: 1, 1536, 768>}, {transform_indices = @transform_4, window_bounds = array<i64: 1, 1, 768>}, {transform_indices = @transform_5, window_bounds = array<i64: 128, 1>}, {transform_indices = @transform_6, window_bounds = array<i64: 128, 768>}]} {
    %get3A = arith.constant 0 : index
    %get3A_0 = arith.constant 0 : index
    %get3A_1 = vector.load %arg2[%get3A, %get3A_0] : memref<128x768xf32, #tpu.memory_space<vmem>>, vector<128x768xf32>
    %get3A_2 = arith.constant 0 : index
    %get3A_3 = arith.constant 0 : index
    %get3A_4 = arith.constant 0 : index
    %get3A_5 = vector.load %arg3[%get3A_2, %get3A_3, %get3A_4] : memref<1x768x1536xf32, #tpu.memory_space<vmem>>, vector<1x768x1536xf32>
    %get3A_6 = vector.shape_cast %get3A_5 : vector<1x768x1536xf32> to vector<768x1536xf32>
    %dot_general3A = arith.constant dense<0.000000e+00> : vector<128x1536xf32>
    %dot_general3A_7 = tpu.matmul %get3A_1, %get3A_6, %dot_general3A {dimension_numbers = #tpu.dot_dimension_numbers<[1], [0], [0], [1], [0, 0, 1, 1], [], []>, precision = #tpu.contract_precision<fp32>, transpose_lhs_hint = false} : vector<128x768xf32>, vector<768x1536xf32>, vector<128x1536xf32> -> vector<128x1536xf32>
    %get3A_8 = arith.constant 0 : index
    %get3A_9 = arith.constant 0 : index
    %get3A_10 = arith.constant 0 : index
    %get3A_11 = vector.load %arg4[%get3A_8, %get3A_9, %get3A_10] : memref<1x1x1536xf32, #tpu.memory_space<vmem>>, vector<1x1x1536xf32>
    %get3A_12 = vector.shape_cast %get3A_11 : vector<1x1x1536xf32> to vector<1536xf32>
    %broadcast_in_dim3A = vector.shape_cast %get3A_12 : vector<1536xf32> to vector<1x1536xf32>
    %add3A = vector.broadcast %broadcast_in_dim3A : vector<1x1536xf32> to vector<128x1536xf32>
    %add3A_13 = arith.addf %dot_general3A_7, %add3A : vector<128x1536xf32>
    %logistic3A = arith.negf %add3A_13 : vector<128x1536xf32>
    %logistic3A_14 = math.exp %logistic3A : vector<128x1536xf32>
    %logistic3A_15 = arith.constant 1.000000e+00 : f32
    %logistic3A_16 = vector.broadcast %logistic3A_15 : f32 to vector<128x1536xf32>
    %logistic3A_17 = arith.addf %logistic3A_16, %logistic3A_14 : vector<128x1536xf32>
    %logistic3A_18 = arith.divf %logistic3A_16, %logistic3A_17 : vector<128x1536xf32>
    %mul3A = arith.mulf %add3A_13, %logistic3A_18 : vector<128x1536xf32>
    %get3A_19 = arith.constant 0 : index
    %get3A_20 = arith.constant 0 : index
    %get3A_21 = arith.constant 0 : index
    %get3A_22 = vector.load %arg5[%get3A_19, %get3A_20, %get3A_21] : memref<1x1536x768xf32, #tpu.memory_space<vmem>>, vector<1x1536x768xf32>
    %get3A_23 = vector.shape_cast %get3A_22 : vector<1x1536x768xf32> to vector<1536x768xf32>
    %dot_general3A_24 = arith.constant dense<0.000000e+00> : vector<128x768xf32>
    %dot_general3A_25 = tpu.matmul %mul3A, %get3A_23, %dot_general3A_24 {dimension_numbers = #tpu.dot_dimension_numbers<[1], [0], [0], [1], [0, 0, 1, 1], [], []>, precision = #tpu.contract_precision<fp32>, transpose_lhs_hint = false} : vector<128x1536xf32>, vector<1536x768xf32>, vector<128x768xf32> -> vector<128x768xf32>
    %get3A_26 = arith.constant 0 : index
    %get3A_27 = arith.constant 0 : index
    %get3A_28 = arith.constant 0 : index
    %get3A_29 = vector.load %arg6[%get3A_26, %get3A_27, %get3A_28] : memref<1x1x768xf32, #tpu.memory_space<vmem>>, vector<1x1x768xf32>
    %get3A_30 = vector.shape_cast %get3A_29 : vector<1x1x768xf32> to vector<768xf32>
    %broadcast_in_dim3A_31 = vector.shape_cast %get3A_30 : vector<768xf32> to vector<1x768xf32>
    %add3A_32 = vector.broadcast %broadcast_in_dim3A_31 : vector<1x768xf32> to vector<128x768xf32>
    %add3A_33 = arith.addf %dot_general3A_25, %add3A_32 : vector<128x768xf32>
    %get3A_34 = arith.constant 0 : index
    %get3A_35 = arith.constant 0 : index
    %get3A_36 = vector.load %arg7[%get3A_34, %get3A_35] : memref<128x1xf32, #tpu.memory_space<vmem>>, vector<128x1xf32>
    %mul3A_37 = vector.broadcast %get3A_36 : vector<128x1xf32> to vector<128x768xf32>
    %mul3A_38 = arith.mulf %add3A_33, %mul3A_37 : vector<128x768xf32>
    %swap3A = arith.constant 0 : index
    %swap3A_39 = arith.constant 0 : index
    %swap3A_40 = vector.load %arg8[%swap3A, %swap3A_39] : memref<128x768xf32, #tpu.memory_space<vmem>>, vector<128x768xf32>
    tpu.vector_store %arg8[%swap3A, %swap3A_39], %mul3A_38 {strides = array<i32>} : memref<128x768xf32, #tpu.memory_space<vmem>>, vector<128x768xf32>,
    return
  }
  func.func @transform_0(%arg0: i32, %arg1: memref<43xi32, #tpu.memory_space<smem>>) -> (i32, i32) {
    %c0_i32 = arith.constant 0 : i32
    %c0_i32_0 = arith.constant 0 : i32
    return %arg0, %c0_i32 : i32, i32
  }
  func.func @transform_1(%arg0: i32, %arg1: memref<43xi32, #tpu.memory_space<smem>>) -> (i32, i32, i32) {
    %get3A = arith.index_cast %arg0 : i32 to index
    %get3A_0 = memref.load %arg1[%get3A] : memref<43xi32, #tpu.memory_space<smem>>
    %c0_i32 = arith.constant 0 : i32
    %c0_i32_1 = arith.constant 0 : i32
    %c0_i32_2 = arith.constant 0 : i32
    return %get3A_0, %c0_i32, %c0_i32_1 : i32, i32, i32
  }
  func.func @transform_2(%arg0: i32, %arg1: memref<43xi32, #tpu.memory_space<smem>>) -> (i32, i32, i32) {
    %get3A = arith.index_cast %arg0 : i32 to index
    %get3A_0 = memref.load %arg1[%get3A] : memref<43xi32, #tpu.memory_space<smem>>
    %c0_i32 = arith.constant 0 : i32
    %c0_i32_1 = arith.constant 0 : i32
    %c0_i32_2 = arith.constant 0 : i32
    return %get3A_0, %c0_i32, %c0_i32_1 : i32, i32, i32
  }
  func.func @transform_3(%arg0: i32, %arg1: memref<43xi32, #tpu.memory_space<smem>>) -> (i32, i32, i32) {
    %get3A = arith.index_cast %arg0 : i32 to index
    %get3A_0 = memref.load %arg1[%get3A] : memref<43xi32, #tpu.memory_space<smem>>
    %c0_i32 = arith.constant 0 : i32
    %c0_i32_1 = arith.constant 0 : i32
    %c0_i32_2 = arith.constant 0 : i32
    return %get3A_0, %c0_i32, %c0_i32_1 : i32, i32, i32
  }
  func.func @transform_4(%arg0: i32, %arg1: memref<43xi32, #tpu.memory_space<smem>>) -> (i32, i32, i32) {
    %get3A = arith.index_cast %arg0 : i32 to index
    %get3A_0 = memref.load %arg1[%get3A] : memref<43xi32, #tpu.memory_space<smem>>
    %c0_i32 = arith.constant 0 : i32
    %c0_i32_1 = arith.constant 0 : i32
    %c0_i32_2 = arith.constant 0 : i32
    return %get3A_0, %c0_i32, %c0_i32_1 : i32, i32, i32
  }
  func.func @transform_5(%arg0: i32, %arg1: memref<43xi32, #tpu.memory_space<smem>>) -> (i32, i32) {
    %c0_i32 = arith.constant 0 : i32
    %c0_i32_0 = arith.constant 0 : i32
    return %arg0, %c0_i32 : i32, i32
  }
  func.func @transform_6(%arg0: i32, %arg1: memref<43xi32, #tpu.memory_space<smem>>) -> (i32, i32) {
    %c0_i32 = arith.constant 0 : i32
    %c0_i32_0 = arith.constant 0 : i32
    return %arg0, %c0_i32 : i32, i32
  }
}

module attributes {stable_mosaic.version = 14 : i64} {
  func.func @_moe_tile_kernel(%arg0: i32, %arg1: memref<43xi32, #tpu.memory_space<smem>>, %arg2: memref<128x768xf32, #tpu.memory_space<vmem>>, %arg3: memref<1x768x1536xf32, #tpu.memory_space<vmem>>, %arg4: memref<1x1x1536xf32, #tpu.memory_space<vmem>>, %arg5: memref<1x1536x768xf32, #tpu.memory_space<vmem>>, %arg6: memref<1x1x768xf32, #tpu.memory_space<vmem>>, %arg7: memref<128x1xf32, #tpu.memory_space<vmem>>, %arg8: memref<128x768xf32, #tpu.memory_space<vmem>>) attributes {dimension_semantics = [#tpu.dimension_semantics<arbitrary>], iteration_bounds = array<i64: 43>, scalar_prefetch = 1 : i64, scratch_operands = 0 : i64, tpu.core_type = #tpu.core_type<tc>, window_params = [{transform_indices = @transform_0, window_bounds = array<i64: 128, 768>}, {transform_indices = @transform_1, window_bounds = array<i64: 1, 768, 1536>}, {transform_indices = @transform_2, window_bounds = array<i64: 1, 1, 1536>}, {transform_indices = @transform_3, window_bounds = array<i64: 1, 1536, 768>}, {transform_indices = @transform_4, window_bounds = array<i64: 1, 1, 768>}, {transform_indices = @transform_5, window_bounds = array<i64: 128, 1>}, {transform_indices = @transform_6, window_bounds = array<i64: 128, 768>}]} {
    %get3A = arith.constant 0 : index
    %get3A_0 = arith.constant 0 : index
    %get3A_1 = vector.load %arg2[%get3A, %get3A_0] : memref<128x768xf32, #tpu.memory_space<vmem>>, vector<128x768xf32>
    %get3A_2 = arith.constant 0 : index
    %get3A_3 = arith.constant 0 : index
    %get3A_4 = arith.constant 0 : index
    %get3A_5 = vector.load %arg3[%get3A_2, %get3A_3, %get3A_4] : memref<1x768x1536xf32, #tpu.memory_space<vmem>>, vector<1x768x1536xf32>
    %get3A_6 = vector.shape_cast %get3A_5 : vector<1x768x1536xf32> to vector<768x1536xf32>
    %dot_general3A = arith.constant dense<0.000000e+00> : vector<128x1536xf32>
    %dot_general3A_7 = tpu.matmul %get3A_1, %get3A_6, %dot_general3A {dimension_numbers = #tpu.dot_dimension_numbers<[1], [0], [0], [1], [0, 0, 1, 1], [], []>, transpose_lhs_hint = false} : vector<128x768xf32>, vector<768x1536xf32>, vector<128x1536xf32> -> vector<128x1536xf32>
    %get3A_8 = arith.constant 0 : index
    %get3A_9 = arith.constant 0 : index
    %get3A_10 = arith.constant 0 : index
    %get3A_11 = vector.load %arg4[%get3A_8, %get3A_9, %get3A_10] : memref<1x1x1536xf32, #tpu.memory_space<vmem>>, vector<1x1x1536xf32>
    %get3A_12 = vector.shape_cast %get3A_11 : vector<1x1x1536xf32> to vector<1536xf32>
    %broadcast_in_dim3A = vector.shape_cast %get3A_12 : vector<1536xf32> to vector<1x1536xf32>
    %add3A = vector.broadcast %broadcast_in_dim3A : vector<1x1536xf32> to vector<128x1536xf32>
    %add3A_13 = arith.addf %dot_general3A_7, %add3A : vector<128x1536xf32>
    %logistic3A = arith.negf %add3A_13 : vector<128x1536xf32>
    %logistic3A_14 = math.exp %logistic3A : vector<128x1536xf32>
    %logistic3A_15 = arith.constant 1.000000e+00 : f32
    %logistic3A_16 = vector.broadcast %logistic3A_15 : f32 to vector<128x1536xf32>
    %logistic3A_17 = arith.addf %logistic3A_16, %logistic3A_14 : vector<128x1536xf32>
    %logistic3A_18 = arith.divf %logistic3A_16, %logistic3A_17 : vector<128x1536xf32>
    %mul3A = arith.mulf %add3A_13, %logistic3A_18 : vector<128x1536xf32>
    %get3A_19 = arith.constant 0 : index
    %get3A_20 = arith.constant 0 : index
    %get3A_21 = arith.constant 0 : index
    %get3A_22 = vector.load %arg5[%get3A_19, %get3A_20, %get3A_21] : memref<1x1536x768xf32, #tpu.memory_space<vmem>>, vector<1x1536x768xf32>
    %get3A_23 = vector.shape_cast %get3A_22 : vector<1x1536x768xf32> to vector<1536x768xf32>
    %dot_general3A_24 = arith.constant dense<0.000000e+00> : vector<128x768xf32>
    %dot_general3A_25 = tpu.matmul %mul3A, %get3A_23, %dot_general3A_24 {dimension_numbers = #tpu.dot_dimension_numbers<[1], [0], [0], [1], [0, 0, 1, 1], [], []>, transpose_lhs_hint = false} : vector<128x1536xf32>, vector<1536x768xf32>, vector<128x768xf32> -> vector<128x768xf32>
    %get3A_26 = arith.constant 0 : index
    %get3A_27 = arith.constant 0 : index
    %get3A_28 = arith.constant 0 : index
    %get3A_29 = vector.load %arg6[%get3A_26, %get3A_27, %get3A_28] : memref<1x1x768xf32, #tpu.memory_space<vmem>>, vector<1x1x768xf32>
    %get3A_30 = vector.shape_cast %get3A_29 : vector<1x1x768xf32> to vector<768xf32>
    %broadcast_in_dim3A_31 = vector.shape_cast %get3A_30 : vector<768xf32> to vector<1x768xf32>
    %add3A_32 = vector.broadcast %broadcast_in_dim3A_31 : vector<1x768xf32> to vector<128x768xf32>
    %add3A_33 = arith.addf %dot_general3A_25, %add3A_32 : vector<128x768xf32>
    %get3A_34 = arith.constant 0 : index
    %get3A_35 = arith.constant 0 : index
    %get3A_36 = vector.load %arg7[%get3A_34, %get3A_35] : memref<128x1xf32, #tpu.memory_space<vmem>>, vector<128x1xf32>
    %mul3A_37 = vector.broadcast %get3A_36 : vector<128x1xf32> to vector<128x768xf32>
    %mul3A_38 = arith.mulf %add3A_33, %mul3A_37 : vector<128x768xf32>
    %swap3A = arith.constant 0 : index
    %swap3A_39 = arith.constant 0 : index
    %swap3A_40 = vector.load %arg8[%swap3A, %swap3A_39] : memref<128x768xf32, #tpu.memory_space<vmem>>, vector<128x768xf32>
    tpu.vector_store %arg8[%swap3A, %swap3A_39], %mul3A_38 {strides = array<i32>} : memref<128x768xf32, #tpu.memory_space<vmem>>, vector<128x768xf32>,
    return
  }
  func.func @transform_0(%arg0: i32, %arg1: memref<43xi32, #tpu.memory_space<smem>>) -> (i32, i32) {
    %c0_i32 = arith.constant 0 : i32
    %c0_i32_0 = arith.constant 0 : i32
    return %arg0, %c0_i32 : i32, i32
  }
  func.func @transform_1(%arg0: i32, %arg1: memref<43xi32, #tpu.memory_space<smem>>) -> (i32, i32, i32) {
    %get3A = arith.index_cast %arg0 : i32 to index
    %get3A_0 = memref.load %arg1[%get3A] : memref<43xi32, #tpu.memory_space<smem>>
    %c0_i32 = arith.constant 0 : i32
    %c0_i32_1 = arith.constant 0 : i32
    %c0_i32_2 = arith.constant 0 : i32
    return %get3A_0, %c0_i32, %c0_i32_1 : i32, i32, i32
  }
  func.func @transform_2(%arg0: i32, %arg1: memref<43xi32, #tpu.memory_space<smem>>) -> (i32, i32, i32) {
    %get3A = arith.index_cast %arg0 : i32 to index
    %get3A_0 = memref.load %arg1[%get3A] : memref<43xi32, #tpu.memory_space<smem>>
    %c0_i32 = arith.constant 0 : i32
    %c0_i32_1 = arith.constant 0 : i32
    %c0_i32_2 = arith.constant 0 : i32
    return %get3A_0, %c0_i32, %c0_i32_1 : i32, i32, i32
  }
  func.func @transform_3(%arg0: i32, %arg1: memref<43xi32, #tpu.memory_space<smem>>) -> (i32, i32, i32) {
    %get3A = arith.index_cast %arg0 : i32 to index
    %get3A_0 = memref.load %arg1[%get3A] : memref<43xi32, #tpu.memory_space<smem>>
    %c0_i32 = arith.constant 0 : i32
    %c0_i32_1 = arith.constant 0 : i32
    %c0_i32_2 = arith.constant 0 : i32
    return %get3A_0, %c0_i32, %c0_i32_1 : i32, i32, i32
  }
  func.func @transform_4(%arg0: i32, %arg1: memref<43xi32, #tpu.memory_space<smem>>) -> (i32, i32, i32) {
    %get3A = arith.index_cast %arg0 : i32 to index
    %get3A_0 = memref.load %arg1[%get3A] : memref<43xi32, #tpu.memory_space<smem>>
    %c0_i32 = arith.constant 0 : i32
    %c0_i32_1 = arith.constant 0 : i32
    %c0_i32_2 = arith.constant 0 : i32
    return %get3A_0, %c0_i32, %c0_i32_1 : i32, i32, i32
  }
  func.func @transform_5(%arg0: i32, %arg1: memref<43xi32, #tpu.memory_space<smem>>) -> (i32, i32) {
    %c0_i32 = arith.constant 0 : i32
    %c0_i32_0 = arith.constant 0 : i32
    return %arg0, %c0_i32 : i32, i32
  }
  func.func @transform_6(%arg0: i32, %arg1: memref<43xi32, #tpu.memory_space<smem>>) -> (i32, i32) {
    %c0_i32 = arith.constant 0 : i32
    %c0_i32_0 = arith.constant 0 : i32
    return %arg0, %c0_i32 : i32, i32
  }
}

</mosaic_0001>

<sc_bundles>
// kernel: gather_offload_async_start.1
scs
__scs_entry_jumppad:
0x0: {  	(pc) =	sbr.rel $0x88, $3  }
0x1: {  	(tag) =	ssettag $0x0;
	lr =	simm.s32 $0x1  }
0x2: {  	[smem:$0x3F7C] =	sst lr;
	_ =	strace $0xD0000000  }
0x3: {  	_ = 	snop  }
0x4: {  	_ = 	snop  }
0x5: {  	_ = 	snop  }
0x6: {  	_ = 	snop  }
0x7: {  	_ = 	snop  }
__scs_overlays_trampoline_lowered:
0x8: {  	[smem:$0x3F8B] =	sst s0  }
0x9: {  	[smem:$0x3F8C] =	sst s1  }
0xa: {  	[smem:$0x3F8D] =	sst s2  }
0xb: {  	[smem:$0x3F8E] =	sst s3  }
0xc: {  	[smem:$0x3F8F] =	sst s4  }
0xd: {  	[smem:$0x3F90] =	sst s5  }
0xe: {  	[smem:$0x3F91] =	sst s6  }
0xf: {  	[smem:$0x3F92] =	sst s7  }
0x10: {  	[smem:$0x3F93] =	sst s8  }
0x11: {  	[smem:$0x3F94] =	sst s9;
	s0 =	simm.s32 @!p0 $0x0  }
0x12: {  	s1 =	sld [smem:$0x3F7A];
	s0 =	simm.s32 @p0 $0x1  }
0x13: {  	[smem:$0x3F95] =	sst s0;
	s0 =	simm.s32 @!p1 $0x0  }
0x14: {  	s2 =	sld [smem:$0x3F79];
	s0 =	simm.s32 @p1 $0x1  }
0x15: {  	[smem:$0x3F96] =	sst s0;
	s0 =	simm.s32 @!p2 $0x0  }
0x16: {  	s3 =	sld [smem:$0x3FDB];
	s0 =	simm.s32 @p2 $0x1  }
0x17: {  	s4 =	simm.s32 $0x1BF5;
	[smem:$0x3F98] =	sst s0  }
0x18: {  	s0 =	sld [smem:$0x3F7B];
	_ =	swait.ge [sflag:s4], $0x0  }
0x19: {  	s7 =	sld [smem:$0x3F7C]  }
0x1a: {  	s8 =	sadd.s32 $0xFFFFE003, lr  }
0x1b: {  	s9 =	sadd.s32 $0xFFFFFEF7, lr;
	s5 =	simm.s32 $0xFFFFFFFF;
	p2 =	slt.u32 s8, $0xFFFFF086  }
0x1c: {  	p1 =	slt.u32 s9, $0xF7A;
	s5 =	simm.s32 @!p2 $0x0  }
0x1d: {  	s5 =	simm.s32 @p1 $0x1;
	p0 =	seq.s32 s7, s2  }
0x1e: {  	s7 =	smul.u32 @!p0 $0xF7A, s2;
	p2 =	seq.s32 @!p0 s5, $0x0  }
0x1f: {  	s9 =	smul.u32 $0xF7A, s1;
	s8 =	simm.s32 @!p0 $0x1BF5;
	p2 =	por !p2, p0  }
0x20: {  	[sflag:s8] =	ssyncset.s32 @!p0 $0xFFFFF086;
	s6 =	sadd.s32 @!p0 s3, s7;
	s7 =	simm.s32 @!p0 $0x108  }
0x21: {  	s3 =	sadd.s32 s3, s9;
	s6 =	sadd.s32 @!p0 $0x88, s6;
	s7 =	simm.s32 @p2 $0x1082  }
0x22: {  	[simem:s7], [sflag:s8] =	dma.local @!p0 [hbm:s6], $0xF7A  }
0x23: {  	s9 =	sor.u32 $0xD0000000, s2;
	s6 =	simm.s32 $0x108;
	_ =	swait.ge @!p0 [sflag:s8], $0x0  }
0x24: {  	s3 =	sadd.s32 $0x88, s3;
	s6 =	simm.s32 @!p1 $0x1082;
	[sflag:s4] =	ssyncset.s32 $0xFFFFF086  }
0x25: {  	[simem:s6], [sflag:s4] =	dma.local [hbm:s3], $0xF7A  }
0x26: {  	[smem:$0x3F7C] =	sst s1;
	(tag) =	ssettag s2;
	_ =	strace s9  }
0x27: {  	s1 =	sld [smem:$0x3F8C]  }
0x28: {  	s2 =	sld [smem:$0x3F8D]  }
0x29: {  	s4 =	sld [smem:$0x3F8F]  }
0x2a: {  	p0 =	seq.s32 s5, $0x0;
	s5 =	sld [smem:$0x3F90]  }
0x2b: {  	s6 =	sld [smem:$0x3F91]  }
0x2c: {  	s7 =	sld [smem:$0x3F92]  }
0x2d: {  	s3 =	simm.s32 $0x108;
	s8 =	sld [smem:$0x3F93]  }
0x2e: {  	s3 =	simm.s32 @!p0 $0x1082;
	s9 =	sld [smem:$0x3F94]  }
0x2f: {  	lr =	sadd.s32 s0, s3;
	s0 =	sld [smem:$0x3F8B]  }
0x30: {  	s3 =	sld [smem:$0x3F8E]  }
0x31: {  	[smem:$0x3F97] =	sst s10  }
0x32: {  	s10 =	sld [smem:$0x3F95];
	_ =	sdelay $0x3  }
0x33: {  	p0 =	seq.s32 s10, $0x1;
	s10 =	sld [smem:$0x3F97];
	_ =	sdelay $0x3  }
0x34: {  	[smem:$0x3F97] =	sst s10  }
0x35: {  	s10 =	sld [smem:$0x3F96];
	_ =	sdelay $0x3  }
0x36: {  	p1 =	seq.s32 s10, $0x1;
	s10 =	sld [smem:$0x3F97];
	_ =	sdelay $0x3  }
0x37: {  	[smem:$0x3F97] =	sst s10  }
0x38: {  	s10 =	sld [smem:$0x3F98]  }
0x39: {  	_ = 	snop;
	(pc) =	sbr.ind lr, $3  }
0x3a: {  	_ = 	snop  }
0x3b: {  	_ = 	snop  }
0x3c: {  	p2 =	seq.s32 s10, $0x1;
	s10 =	sld [smem:$0x3F97]  }
0x3d: {  	_ =	shalt  }
0x3e: {  	_ =	shalt  }
0x3f: {  	_ =	shalt  }
0x40: {  	_ =	shalt  }
0x41: {  	_ =	shalt  }
0x42: {  	_ =	shalt  }
0x43: {  	_ =	shalt  }
0x44: {  	_ =	shalt  }
0x45: {  	_ =	shalt  }
0x46: {  	_ =	shalt  }
0x47: {  	_ =	shalt  }
0x48: {  	_ =	shalt  }
0x49: {  	_ =	shalt  }
0x4a: {  	_ =	shalt  }
0x4b: {  	_ =	shalt  }
0x4c: {  	_ =	shalt  }
0x4d: {  	_ =	shalt  }
0x4e: {  	_ =	shalt  }
0x4f: {  	_ =	shalt  }
0x50: {  	_ =	shalt  }
0x51: {  	_ =	shalt  }
0x52: {  	_ =	shalt  }
0x53: {  	_ =	shalt  }
0x54: {  	_ =	shalt  }
0x55: {  	_ =	shalt  }
0x56: {  	_ =	shalt  }
0x57: {  	_ =	shalt  }
0x58: {  	_ =	shalt  }
0x59: {  	_ =	shalt  }
0x5a: {  	_ =	shalt  }
0x5b: {  	_ =	shalt  }
0x5c: {  	_ =	shalt  }
0x5d: {  	_ =	shalt  }
0x5e: {  	_ =	shalt  }
0x5f: {  	_ =	shalt  }
0x60: {  	_ =	shalt  }
0x61: {  	_ =	shalt  }
0x62: {  	_ =	shalt  }
0x63: {  	_ =	shalt  }
0x64: {  	_ =	shalt  }
0x65: {  	_ =	shalt  }
0x66: {  	_ =	shalt  }
0x67: {  	_ =	shalt  }
0x68: {  	_ =	shalt  }
0x69: {  	_ =	shalt  }
0x6a: {  	_ =	shalt  }
0x6b: {  	_ =	shalt  }
0x6c: {  	_ =	shalt  }
0x6d: {  	_ =	shalt  }
0x6e: {  	_ =	shalt  }
0x6f: {  	_ =	shalt  }
0x70: {  	_ =	shalt  }
0x71: {  	_ =	shalt  }
0x72: {  	_ =	shalt  }
0x73: {  	_ =	shalt  }
0x74: {  	_ =	shalt  }
0x75: {  	_ =	shalt  }
0x76: {  	_ =	shalt  }
0x77: {  	_ =	shalt  }
0x78: {  	_ =	shalt  }
0x79: {  	_ =	shalt  }
0x7a: {  	_ =	shalt  }
0x7b: {  	_ =	shalt  }
0x7c: {  	_ =	shalt  }
0x7d: {  	_ =	shalt  }
0x7e: {  	_ =	shalt  }
0x7f: {  	_ =	shalt  }
0x80: {  	_ =	shalt  }
0x81: {  	_ =	shalt  }
0x82: {  	_ =	shalt  }
0x83: {  	_ =	shalt  }
0x84: {  	_ =	shalt  }
0x85: {  	_ =	shalt  }
0x86: {  	_ =	shalt  }
0x87: {  	_ =	shalt  }
.Lfunc_end0:
.L_simem_size_0:
called_computation.1_lowered:
.L_overlay_start_0:
0x88: {  	s2 =	sld [smem:$0x3FD9]  }
0x89: {  	s3 =	sld [smem:$0x3FFE];
	_ =	sdelay $0x1  }
0x8a: {  	s1 =	srdreg.scid  }
0x8b: {  	s0 =	sand.u32 $0x1, s1  }
0x8c: {  	s16 =	sshll.u32 s0, $0xA;
	s2 =	sadd.s32 s3, s2  }
0x8d: {  	s2 =	sadd.s32 s2, s16  }
0x8e: {  	[smem:$0x3FA3] =	sst s2  }
0x8f: {  	_ = 	snop  }
0x90: {  	(tm) =	ssettm $0x1  }
0x91: {  	s17 =	sld [smem:$0x3FFB];
	_ =	sdelay $0x3  }
0x92: {  	_ =	strace s17  }
0x93: {  	s2 =	sld [smem:$0x3FFC];
	_ =	sdelay $0x3  }
0x94: {  	_ =	strace s2  }
0x95: {  	s2 =	sld [smem:$0x3FFD];
	_ =	sdelay $0x3  }
0x96: {  	_ =	strace s2  }
0x97: {  	_ =	strace $0x8FFFFFFF  }
0x98: {  	s18 =	sld [smem:$0x3FDB];
	_ =	sdelay $0x1  }
0x99: {  	s19 =	simm.s32 $_scs_section_size  }
0x9a: {  	s4 =	simm.s32 $_size__tile_overlayer_lowered;
	s5 =	simm.s32 $_tile_overlayer_lowered  }
0x9b: {  	s22 =	simm.s32 $0x1BFF;
	s21 =	sshll.u32 s5, $0x1;
	s2 =	sadd.s32 s19, s18  }
0x9c: {  	s6 =	simm.s32 $0x0;
	s20 =	sshll.u32 s4, $0x1;
	s4 =	sadd.s32 s21, s2  }
0x9d: {  	[timem:s6], [sflag:s22] =	dma.local [hbm:s4], s20  }
0x9e: {  	_ =	swait.ge [sflag:s22], s20  }
0x9f: {  	s3 =	ssub.s32 $0x0, s20;
	[sflag:s22] =	ssyncset.done $0x0  }
0xa0: {  	[sflag:s22] =	ssyncadd.s32 s3;
	_ =	sdelay $0x1  }
0xa1: {  	s23 =	simm.s32 $0x1B8B  }
0xa2: {  	_ =	swait.ge [sflag:s23], $0x1  }
0xa3: {  	[sflag:s23] =	ssyncset.done $0x0  }
0xa4: {  	s25 =	simm.s32 $0x1B8E;
	s24 =	sld [smem:$0x3FFE];
	[sflag:s23] =	ssyncadd.s32 $0xFFFFFFFF  }
0xa5: {  	s26 =	simm.s32 $execute0_lowered;
	[smem:$0x3FD2] =	sst s25  }
0xa6: {  	s4 =	sshll.u32 s26, $0x1;
	_ =	strace $0x80000049;
	[dreg:$0x1] =	wrdreg $0xFFFFFFFF  }
0xa7: {  	s28 =	simm.s32 $_size_execute0_lowered;
	s2 =	sadd.s32 s2, s4;
	[dreg:$0x0] =	wrdreg $0x0  }
0xa8: {  	s4 =	sshll.u32 s28, $0x1;
	[dreg:$0x2] =	wrdreg s2  }
0xa9: {  	[dreg:$0x3] =	wrdreg s4  }
0xaa: {  	[dreg:$0x4] =	wrdreg $0xC0  }
0xab: {  	_ =	task [dreg:s6], $0x5FFFF  }
0xac: {  	[dreg:$0x1] =	wrdreg $0xFFFFFFFF  }
0xad: {  	[dreg:$0x0] =	wrdreg $0x60  }
0xae: {  	[dreg:$0x2] =	wrdreg s24  }
0xaf: {  	[dreg:$0x3] =	wrdreg $0x9  }
0xb0: {  	_ =	task.clear_ibuf [dreg:s6], $0x4FFFF;
	_ =	strace $0x90000049  }
0xb1: {  	s29 =	simm.s32 $0x9;
	_ =	strace $0x8000004B  }
0xb2: {  	_ =	swait.ge [sflag:s29], $0x1  }
0xb3: {  	[sflag:s29] =	ssyncadd.s32 $0xFFFFFFFF  }
0xb4: {  	_ =	strace $0x9000004B  }
0xb5: {  	_ =	sfence  }
0xb6: {  	s30 =	sld [smem:$0x0];
	_ =	sdelay $0x2  }
0xb7: {  	s31 =	sshll.u32 s1, $0xD;
	s1 =	sshrl.u32 s1, $0x2  }
0xb8: {  	s3 =	sand.u32 $0x4000, s31;
	s1 =	sadd.s32 s1, s30  }
0xb9: {  	s0 =	sor.u32 s3, s0;
	s1 =	sshll.u32 s1, $0x11  }
0xba: {  	s0 =	sor.u32 s1, s0  }
0xbb: {  	s0 =	sadd.s32 $0x8F2B, s0  }
0xbc: {  	[sflag:s0] =	ssyncadd.remote.s32 $0x1  }
0xbd: {  	_ =	sfence.sel $0xFFFF  }
0xbe: {  	[dreg:$0x0] =	wrdreg $0xFFFFFFFF;
	(pc) =	sbr.abs _section_cstart, $3  }
0xbf: {  	[dreg:$0x1] =	wrdreg $0xFFFFFFFF  }
0xc0: {  	_ =	task.clear_ibuf [dreg:s6], $0x2FFFF;
	_ =	strace $0x9FFFFFFF  }
0xc1: {  	(tm) =	ssettm $0x7FFFFFFF  }
tec
execute0_lowered:
.L_overlay_start_1:
0x0: {  	(tag) =	ssettag $0x1  }
0x1: {  	s0 =	srdreg.scid;
	s5 =	rddreg [dreg:$0x0]  }
0x2: {  	s1 =	stileid.u32;
	s6 =	simm.s32 $0x1;
	s9 =	simm.s32 $0x1  }
0x3: {  	s10 =	simm.s32 $0x3;
	s13 =	simm.s32 $0x0;
	s2 =	sshll.u32 s0, $0x6  }
0x4: {  	s12 =	simm.s32 $0x0;
	s3 =	sshll.u32 s1, $0x7;
	s2 =	sand.u32 $0x40, s2  }
0x5: {  	s0 =	rddreg [dreg:$0x1];
	_ =	strace $0x8000004A;
	s2 =	sor.u32 s3, s2  }
0x6: {  	s4 =	sadd.s32 $0x515E00, s5;
	[sflag:s6] =	ssyncpa.u1 $0x0;
	s8 =	ssub.s32 $0x1580, s2  }
.Ltmp0:
0x7: {  	s3 =	sadd.s32 $0x2C200, s5;
	s7 =	sand.u32 $0x7C0, s8;
	(pc) =	sbr.rel .LBB2_1-.Ltmp0, $4  }
0x8: {  	s5 =	sadd.s32 $0x516200, s5;
	s11 =	smov.u32 s2;
	p0 =	sne.s32 s7, $0x0  }
0x9: {  	s8 =	sshrl.u32 s8, $0xB;
	s7 =	simm.s32 $0x2;
	s9 =	simm.s32 @!p0 $0x0  }
0xa: {  	[sflag:s7] =	ssyncpa.u1 $0x0;
	p0 =	por $0x0, $0x0;
	s8 =	sadd.s32 s9, s8  }
0xb: {  	vm0 =	vmmov $0xffff;
	[sflag:s10] =	ssyncpa.u1 $0x0;
	s10 =	simm.s32 $0x0;
	s9 =	sadd.s32 $0x1, s8  }
.LBB2_4:
0xc: {  	v2 =	vnsel vm1, $0x0, v2  }
0xd: {  	vm1 =	vgt.s32 v0, $0x0;
	v2 =	vmin.u32 v2, $0x1187  }
0xe: {  	v0 =	vnsel vm1, $0x0, v0  }
0xf: {  	v0 =	vmin.u32 v0, $0x1187  }
0x10: {  	[tilespmem:s15], [sflag:$0x1] =	stream.indirect_vreg.gather [hbm4b:s3+s10], $0x1, v1, vm0, $0x4038;
	[tilespmem:$0x100] =	vst v63  }
0x11: {  	(ifvalue) =	ssetifvalue $0x7FFFFFFF  }
0x12: {  	[tilespmem:s16], [sflag:$0x1] =	stream.indirect_vreg.gather [hbm4b:s3+s10], $0x1, v2, vm0, $0x4038;
	[tilespmem:$0x100] =	vst v63  }
0x13: {  	s29 =	sadd.s32 $0x10, s16;
	(ifvalue) =	ssetifvalue $0x7FFFFFFF  }
0x14: {  	[tilespmem:s29], [sflag:$0x1] =	stream.indirect_vreg.gather [hbm4b:s3+s10], $0x1, v0, vm0, $0x4038;
	[tilespmem:$0x100] =	vst v63  }
0x15: {  	_ =	swait.ge [sflag:s6], $0x40  }
0x16: {  	s30 =	sshrl.u32 s13, $0x3;
	[sflag:s6] =	ssyncset.done $0x0  }
0x17: {  	s31 =	sand.u32 $0x7, s13;
	s15 =	sadd.s32 s5, s30;
	[sflag:s6] =	ssyncadd.s32 $0xFFFFFFC0  }
0x18: {  	[hbm4b:s15+s31] =	stream.linear.scatter [tilespmem:s14], [sflag:$0x3], $0x40, $0x38;
	[tilespmem:$0x100] =	vst v63  }
.LBB2_5:
0x19: {  	s15 =	sadd.s32 $0x800, s11  }
0x1a: {  	p2 =	sgt.s32 s15, $0x157F  }
0x1b: {  	s15 =	smov.u32 @p2 s2;
	p2 =	sne.s32 s12, s9  }
.Ltmp1:
0x1c: {  	p1 =	slt.u32 s12, $0x2;
	(pc) =	sbr.rel @!p2 .LBB2_6-.Ltmp1, $4  }
0x1d: {  	s14 =	simm.s32 @!p1 $0x3  }
0x1e: {  	s16 =	sadd.s32 $0x1, s12;
	_ =	swait.ge @!p1 [sflag:s14], $0x40  }
0x1f: {  	s13 =	smov.u32 s11;
	p0 =	por !p0, !p0;
	[sflag:s14] =	ssyncset.done @!p1 $0x0  }
0x20: {  	s12 =	smov.u32 s16;
	s11 =	smov.u32 s15;
	[sflag:s14] =	ssyncadd.s32 @!p1 $0xFFFFFFC0  }
.LBB2_1:
0x21: {  	p1 =	sge.u32 s12, s8  }
0x22: {  	s14 =	sxor.u32 @!p1 $0xFFFFFFFF, s12  }
0x23: {  	s31 =	sadd.s32 $0xFFFFFFFF, s12;
	s15 =	sshrl.u32 @!p1 s11, $0x3;
	s14 =	sshll.u32 @!p1 s14, $0x6  }
0x24: {  	s16 =	sand.u32 @!p1 $0x7, s11;
	s15 =	sadd.s32 @!p1 s4, s15;
	s14 =	sand.u32 @!p1 $0x40, s14  }
0x25: {  	[tilespmem:s14], [sflag:$0x2] =	stream.linear.gather @!p1 [hbm4b:s15+s16], $0x40, $0x38;
	[tilespmem:$0x100] =	vst v63  }
0x26: {  	p1 =	sge.u32 s31, s8  }
.Ltmp2:
0x27: {  	_ = 	snop;
	(pc) =	sbr.rel @p1 .LBB2_5-.Ltmp2, $1  }
0x28: {  	_ =	sdelay $0x3  }
0x29: {  	s14 =	simm.s32 $0x1  }
0x2a: {  	_ =	swait.ge [sflag:s7], $0x40;
	s14 =	simm.s32 @!p0 $0x0  }
0x2b: {  	[sflag:s7] =	ssyncset.done $0x0;
	s14 =	sshll.u32 s14, $0x6  }
0x2c: {  	[sflag:s7] =	ssyncadd.s32 $0xFFFFFFC0;
	(ifvalue) =	ssetifvalue $0x7FFFFFFF;
	v0 =	vld.msk [tilespmem:s14+$0x0 ss:$0x1], $0xffff;
	_ =	sdelay $0x4  }
0x2d: {  	s15 =	sadd.s32 $0x10, s14;
	vm1 =	vgt.s32 v0, $0x0  }
0x2e: {  	v2 =	vld.msk [tilespmem:s15+$0x0 ss:$0x1], $0xffff;
	v1 =	vnsel vm1, $0x0, v0  }
0x2f: {  	v1 =	vmin.u32 v1, $0x1187;
	_ =	sdelay $0x1  }
0x30: {  	s16 =	sshll.u32 s12, $0x6;
	s18 =	simm.s32 $0x20  }
0x31: {  	s16 =	sand.u32 $0x40, s16;
	s17 =	sadd.s32 $0x10, s15;
	s15 =	sor.u32 $0x80, s14  }
0x32: {  	s14 =	sor.u32 $0x80, s16;
	s16 =	sadd.s32 $0x10, s15;
	v0 =	vld.msk [tilespmem:s17+$0x0 ss:$0x1], $0xffff;
	vm1 =	vgt.s32 v2, $0x0;
	(ifvalue) =	ssetifvalue $0x7FFFFFFF  }
.LBB2_3:
0x33: {  	[tilespmem:s15], [sflag:$0x1] =	stream.indirect_vreg.gather [hbm4b:s3+s10], $0x1, v1, vm0, $0x4038;
	[tilespmem:$0x100] =	vst v63  }
0x34: {  	s18 =	sadd.s32 $0x10, s18  }
0x35: {  	v2 =	vnsel vm1, $0x0, v2;
	p1 =	slt.u32 s18, $0x30  }
.Ltmp3:
0x36: {  	s15 =	smov.u32 s16;
	v1 =	vmin.u32 v2, $0x1187;
	(pc) =	sbr.rel @p1 .LBB2_3-.Ltmp3, $3  }
0x37: {  	_ =	sdelay $0x1  }
0x38: {  	s17 =	sadd.s32 $0x10, s17  }
0x39: {  	vm1 =	vgt.s32 v0, $0x0;
	s16 =	sadd.s32 $0x10, s16;
	v2 =	vmov v0;
	(ifvalue) =	ssetifvalue $0x7FFFFFFF;
	v0 =	vld.msk [tilespmem:s17+$0x0 ss:$0x1], $0xffff  }
.Ltmp4:
0x3a: {  	_ = 	snop;
	(pc) =	sbr.rel .LBB2_4-.Ltmp4, $1  }
0x3b: {  	_ =	sdelay $0x3  }
.LBB2_6:
0x3c: {  	_ =	sfence.sel $0x180000  }
0x3d: {  	s2 =	simm.s32 $0x2;
	[bflag:$0x0] =	sbarrier.arrive $0xFFFF  }
0x3e: {  	s30 =	simm.s32 $0x3;
	[sflag:s2] =	ssyncpa.u1 $0x1  }
0x3f: {  	s31 =	simm.s32 $0x1;
	[sflag:s30] =	ssyncpa.u1 $0x1  }
0x40: {  	[sflag:s31] =	ssyncpa.u1 $0x1  }
0x41: {  	p0 =	sne.s32 s1, $0x0;
	_ =	strace $0x9000004A  }
0x42: {  	s0 =	sadd.s32 @!p0 $0x100000, s0;
	[bflag:$0x2] =	sbarrier.arrive $0xFFFF  }
0x43: {  	[sflag:s0] =	ssyncadd.tile.s32 @!p0 $0x1;
	_ =	shalt  }
.Lfunc_end2:
_tile_overlayer_lowered:
.L_overlay_start_2:
0x44: {  	(tag) =	ssettag $0x2  }
0x45: {  	s0 =	rddreg [dreg:$0x0];
	s2 =	stileid.u32  }
0x46: {  	s1 =	rddreg [dreg:$0x1];
	p0 =	sne.s32 s2, $0x0  }
0x47: {  	s3 =	rddreg [dreg:$0x2];
	[bflag:$0x3] =	sbarrier.arrive $0xFFFF;
	s2 =	simm.s32 @!p0 $0x1C01  }
0x48: {  	[timem:s3], [sflag:s2] =	dma.local @!p0 [hbm:s0], s1  }
0x49: {  	s0 =	simm.s32 @!p0 $0x1  }
0x4a: {  	_ =	swait.ge @!p0 [sflag:s0], s1  }
0x4b: {  	s1 =	ssub.s32 @!p0 $0x0, s1;
	[sflag:s0] =	ssyncset.done @!p0 $0x0  }
0x4c: {  	[sflag:s0] =	ssyncadd.s32 @!p0 s1  }
0x4d: {  	[bflag:$0x3] =	sbarrier.arrive $0xFFFF  }
0x4e: {  	_ =	shalt  }

// kernel: gather_offload_async_start.2
scs
__scs_entry_jumppad:
0x0: {  	(pc) =	sbr.rel $0x88, $3  }
0x1: {  	(tag) =	ssettag $0x0;
	lr =	simm.s32 $0x1  }
0x2: {  	[smem:$0x3F7C] =	sst lr;
	_ =	strace $0xD0000000  }
0x3: {  	_ = 	snop  }
0x4: {  	_ = 	snop  }
0x5: {  	_ = 	snop  }
0x6: {  	_ = 	snop  }
0x7: {  	_ = 	snop  }
__scs_overlays_trampoline_lowered:
0x8: {  	[smem:$0x3F8B] =	sst s0  }
0x9: {  	[smem:$0x3F8C] =	sst s1  }
0xa: {  	[smem:$0x3F8D] =	sst s2  }
0xb: {  	[smem:$0x3F8E] =	sst s3  }
0xc: {  	[smem:$0x3F8F] =	sst s4  }
0xd: {  	[smem:$0x3F90] =	sst s5  }
0xe: {  	[smem:$0x3F91] =	sst s6  }
0xf: {  	[smem:$0x3F92] =	sst s7  }
0x10: {  	[smem:$0x3F93] =	sst s8  }
0x11: {  	[smem:$0x3F94] =	sst s9;
	s0 =	simm.s32 @!p0 $0x0  }
0x12: {  	s1 =	sld [smem:$0x3F7A];
	s0 =	simm.s32 @p0 $0x1  }
0x13: {  	[smem:$0x3F95] =	sst s0;
	s0 =	simm.s32 @!p1 $0x0  }
0x14: {  	s2 =	sld [smem:$0x3F79];
	s0 =	simm.s32 @p1 $0x1  }
0x15: {  	[smem:$0x3F96] =	sst s0;
	s0 =	simm.s32 @!p2 $0x0  }
0x16: {  	s3 =	sld [smem:$0x3FDB];
	s0 =	simm.s32 @p2 $0x1  }
0x17: {  	s4 =	simm.s32 $0x1BF5;
	[smem:$0x3F98] =	sst s0  }
0x18: {  	s0 =	sld [smem:$0x3F7B];
	_ =	swait.ge [sflag:s4], $0x0  }
0x19: {  	s7 =	sld [smem:$0x3F7C]  }
0x1a: {  	s8 =	sadd.s32 $0xFFFFE003, lr  }
0x1b: {  	s9 =	sadd.s32 $0xFFFFFEF7, lr;
	s5 =	simm.s32 $0xFFFFFFFF;
	p2 =	slt.u32 s8, $0xFFFFF086  }
0x1c: {  	p1 =	slt.u32 s9, $0xF7A;
	s5 =	simm.s32 @!p2 $0x0  }
0x1d: {  	s5 =	simm.s32 @p1 $0x1;
	p0 =	seq.s32 s7, s2  }
0x1e: {  	s7 =	smul.u32 @!p0 $0xF7A, s2;
	p2 =	seq.s32 @!p0 s5, $0x0  }
0x1f: {  	s9 =	smul.u32 $0xF7A, s1;
	s8 =	simm.s32 @!p0 $0x1BF5;
	p2 =	por !p2, p0  }
0x20: {  	[sflag:s8] =	ssyncset.s32 @!p0 $0xFFFFF086;
	s6 =	sadd.s32 @!p0 s3, s7;
	s7 =	simm.s32 @!p0 $0x108  }
0x21: {  	s3 =	sadd.s32 s3, s9;
	s6 =	sadd.s32 @!p0 $0x88, s6;
	s7 =	simm.s32 @p2 $0x1082  }
0x22: {  	[simem:s7], [sflag:s8] =	dma.local @!p0 [hbm:s6], $0xF7A  }
0x23: {  	s9 =	sor.u32 $0xD0000000, s2;
	s6 =	simm.s32 $0x108;
	_ =	swait.ge @!p0 [sflag:s8], $0x0  }
0x24: {  	s3 =	sadd.s32 $0x88, s3;
	s6 =	simm.s32 @!p1 $0x1082;
	[sflag:s4] =	ssyncset.s32 $0xFFFFF086  }
0x25: {  	[simem:s6], [sflag:s4] =	dma.local [hbm:s3], $0xF7A  }
0x26: {  	[smem:$0x3F7C] =	sst s1;
	(tag) =	ssettag s2;
	_ =	strace s9  }
0x27: {  	s1 =	sld [smem:$0x3F8C]  }
0x28: {  	s2 =	sld [smem:$0x3F8D]  }
0x29: {  	s4 =	sld [smem:$0x3F8F]  }
0x2a: {  	p0 =	seq.s32 s5, $0x0;
	s5 =	sld [smem:$0x3F90]  }
0x2b: {  	s6 =	sld [smem:$0x3F91]  }
0x2c: {  	s7 =	sld [smem:$0x3F92]  }
0x2d: {  	s3 =	simm.s32 $0x108;
	s8 =	sld [smem:$0x3F93]  }
0x2e: {  	s3 =	simm.s32 @!p0 $0x1082;
	s9 =	sld [smem:$0x3F94]  }
0x2f: {  	lr =	sadd.s32 s0, s3;
	s0 =	sld [smem:$0x3F8B]  }
0x30: {  	s3 =	sld [smem:$0x3F8E]  }
0x31: {  	[smem:$0x3F97] =	sst s10  }
0x32: {  	s10 =	sld [smem:$0x3F95];
	_ =	sdelay $0x3  }
0x33: {  	p0 =	seq.s32 s10, $0x1;
	s10 =	sld [smem:$0x3F97];
	_ =	sdelay $0x3  }
0x34: {  	[smem:$0x3F97] =	sst s10  }
0x35: {  	s10 =	sld [smem:$0x3F96];
	_ =	sdelay $0x3  }
0x36: {  	p1 =	seq.s32 s10, $0x1;
	s10 =	sld [smem:$0x3F97];
	_ =	sdelay $0x3  }
0x37: {  	[smem:$0x3F97] =	sst s10  }
0x38: {  	s10 =	sld [smem:$0x3F98]  }
0x39: {  	_ = 	snop;
	(pc) =	sbr.ind lr, $3  }
0x3a: {  	_ = 	snop  }
0x3b: {  	_ = 	snop  }
0x3c: {  	p2 =	seq.s32 s10, $0x1;
	s10 =	sld [smem:$0x3F97]  }
0x3d: {  	_ =	shalt  }
0x3e: {  	_ =	shalt  }
0x3f: {  	_ =	shalt  }
0x40: {  	_ =	shalt  }
0x41: {  	_ =	shalt  }
0x42: {  	_ =	shalt  }
0x43: {  	_ =	shalt  }
0x44: {  	_ =	shalt  }
0x45: {  	_ =	shalt  }
0x46: {  	_ =	shalt  }
0x47: {  	_ =	shalt  }
0x48: {  	_ =	shalt  }
0x49: {  	_ =	shalt  }
0x4a: {  	_ =	shalt  }
0x4b: {  	_ =	shalt  }
0x4c: {  	_ =	shalt  }
0x4d: {  	_ =	shalt  }
0x4e: {  	_ =	shalt  }
0x4f: {  	_ =	shalt  }
0x50: {  	_ =	shalt  }
0x51: {  	_ =	shalt  }
0x52: {  	_ =	shalt  }
0x53: {  	_ =	shalt  }
0x54: {  	_ =	shalt  }
0x55: {  	_ =	shalt  }
0x56: {  	_ =	shalt  }
0x57: {  	_ =	shalt  }
0x58: {  	_ =	shalt  }
0x59: {  	_ =	shalt  }
0x5a: {  	_ =	shalt  }
0x5b: {  	_ =	shalt  }
0x5c: {  	_ =	shalt  }
0x5d: {  	_ =	shalt  }
0x5e: {  	_ =	shalt  }
0x5f: {  	_ =	shalt  }
0x60: {  	_ =	shalt  }
0x61: {  	_ =	shalt  }
0x62: {  	_ =	shalt  }
0x63: {  	_ =	shalt  }
0x64: {  	_ =	shalt  }
0x65: {  	_ =	shalt  }
0x66: {  	_ =	shalt  }
0x67: {  	_ =	shalt  }
0x68: {  	_ =	shalt  }
0x69: {  	_ =	shalt  }
0x6a: {  	_ =	shalt  }
0x6b: {  	_ =	shalt  }
0x6c: {  	_ =	shalt  }
0x6d: {  	_ =	shalt  }
0x6e: {  	_ =	shalt  }
0x6f: {  	_ =	shalt  }
0x70: {  	_ =	shalt  }
0x71: {  	_ =	shalt  }
0x72: {  	_ =	shalt  }
0x73: {  	_ =	shalt  }
0x74: {  	_ =	shalt  }
0x75: {  	_ =	shalt  }
0x76: {  	_ =	shalt  }
0x77: {  	_ =	shalt  }
0x78: {  	_ =	shalt  }
0x79: {  	_ =	shalt  }
0x7a: {  	_ =	shalt  }
0x7b: {  	_ =	shalt  }
0x7c: {  	_ =	shalt  }
0x7d: {  	_ =	shalt  }
0x7e: {  	_ =	shalt  }
0x7f: {  	_ =	shalt  }
0x80: {  	_ =	shalt  }
0x81: {  	_ =	shalt  }
0x82: {  	_ =	shalt  }
0x83: {  	_ =	shalt  }
0x84: {  	_ =	shalt  }
0x85: {  	_ =	shalt  }
0x86: {  	_ =	shalt  }
0x87: {  	_ =	shalt  }
.Lfunc_end0:
.L_simem_size_0:
called_computation.2_lowered:
.L_overlay_start_0:
0x88: {  	s2 =	sld [smem:$0x3FD9]  }
0x89: {  	s3 =	sld [smem:$0x3FFE];
	_ =	sdelay $0x1  }
0x8a: {  	s1 =	srdreg.scid  }
0x8b: {  	s0 =	sand.u32 $0x1, s1  }
0x8c: {  	s16 =	sshll.u32 s0, $0xA;
	s2 =	sadd.s32 s3, s2  }
0x8d: {  	s2 =	sadd.s32 s2, s16  }
0x8e: {  	[smem:$0x3FA3] =	sst s2  }
0x8f: {  	_ = 	snop  }
0x90: {  	(tm) =	ssettm $0x1  }
0x91: {  	s17 =	sld [smem:$0x3FFB];
	_ =	sdelay $0x3  }
0x92: {  	_ =	strace s17  }
0x93: {  	s2 =	sld [smem:$0x3FFC];
	_ =	sdelay $0x3  }
0x94: {  	_ =	strace s2  }
0x95: {  	s2 =	sld [smem:$0x3FFD];
	_ =	sdelay $0x3  }
0x96: {  	_ =	strace s2  }
0x97: {  	_ =	strace $0x8FFFFFFF  }
0x98: {  	s18 =	sld [smem:$0x3FDB];
	_ =	sdelay $0x1  }
0x99: {  	s19 =	simm.s32 $_scs_section_size  }
0x9a: {  	s4 =	simm.s32 $_size__tile_overlayer_lowered;
	s5 =	simm.s32 $_tile_overlayer_lowered  }
0x9b: {  	s22 =	simm.s32 $0x1BFF;
	s21 =	sshll.u32 s5, $0x1;
	s2 =	sadd.s32 s19, s18  }
0x9c: {  	s6 =	simm.s32 $0x0;
	s20 =	sshll.u32 s4, $0x1;
	s4 =	sadd.s32 s21, s2  }
0x9d: {  	[timem:s6], [sflag:s22] =	dma.local [hbm:s4], s20  }
0x9e: {  	_ =	swait.ge [sflag:s22], s20  }
0x9f: {  	s3 =	ssub.s32 $0x0, s20;
	[sflag:s22] =	ssyncset.done $0x0  }
0xa0: {  	[sflag:s22] =	ssyncadd.s32 s3;
	_ =	sdelay $0x1  }
0xa1: {  	s23 =	simm.s32 $0x1B8B  }
0xa2: {  	_ =	swait.ge [sflag:s23], $0x1  }
0xa3: {  	[sflag:s23] =	ssyncset.done $0x0  }
0xa4: {  	s25 =	simm.s32 $0x1B8E;
	s24 =	sld [smem:$0x3FFE];
	[sflag:s23] =	ssyncadd.s32 $0xFFFFFFFF  }
0xa5: {  	s26 =	simm.s32 $execute0_lowered;
	[smem:$0x3FD2] =	sst s25  }
0xa6: {  	s4 =	sshll.u32 s26, $0x1;
	_ =	strace $0x8000004F;
	[dreg:$0x1] =	wrdreg $0xFFFFFFFF  }
0xa7: {  	s28 =	simm.s32 $_size_execute0_lowered;
	s2 =	sadd.s32 s2, s4;
	[dreg:$0x0] =	wrdreg $0x0  }
0xa8: {  	s4 =	sshll.u32 s28, $0x1;
	[dreg:$0x2] =	wrdreg s2  }
0xa9: {  	[dreg:$0x3] =	wrdreg s4  }
0xaa: {  	[dreg:$0x4] =	wrdreg $0xC0  }
0xab: {  	_ =	task [dreg:s6], $0x5FFFF  }
0xac: {  	[dreg:$0x1] =	wrdreg $0xFFFFFFFF  }
0xad: {  	[dreg:$0x0] =	wrdreg $0x60  }
0xae: {  	[dreg:$0x2] =	wrdreg s24  }
0xaf: {  	[dreg:$0x3] =	wrdreg $0x9  }
0xb0: {  	_ =	task.clear_ibuf [dreg:s6], $0x4FFFF;
	_ =	strace $0x9000004F  }
0xb1: {  	s29 =	simm.s32 $0x9;
	_ =	strace $0x80000051  }
0xb2: {  	_ =	swait.ge [sflag:s29], $0x1  }
0xb3: {  	[sflag:s29] =	ssyncadd.s32 $0xFFFFFFFF  }
0xb4: {  	_ =	strace $0x90000051  }
0xb5: {  	_ =	sfence  }
0xb6: {  	s30 =	sld [smem:$0x0];
	_ =	sdelay $0x2  }
0xb7: {  	s31 =	sshll.u32 s1, $0xD;
	s1 =	sshrl.u32 s1, $0x2  }
0xb8: {  	s3 =	sand.u32 $0x4000, s31;
	s1 =	sadd.s32 s1, s30  }
0xb9: {  	s0 =	sor.u32 s3, s0;
	s1 =	sshll.u32 s1, $0x11  }
0xba: {  	s0 =	sor.u32 s1, s0  }
0xbb: {  	s0 =	sadd.s32 $0x8F2B, s0  }
0xbc: {  	[sflag:s0] =	ssyncadd.remote.s32 $0x1  }
0xbd: {  	_ =	sfence.sel $0xFFFF  }
0xbe: {  	[dreg:$0x0] =	wrdreg $0xFFFFFFFF;
	(pc) =	sbr.abs _section_cstart, $3  }
0xbf: {  	[dreg:$0x1] =	wrdreg $0xFFFFFFFF  }
0xc0: {  	_ =	task.clear_ibuf [dreg:s6], $0x2FFFF;
	_ =	strace $0x9FFFFFFF  }
0xc1: {  	(tm) =	ssettm $0x7FFFFFFF  }
tec
execute0_lowered:
.L_overlay_start_1:
0x0: {  	(tag) =	ssettag $0x1  }
0x1: {  	s0 =	srdreg.scid;
	s5 =	rddreg [dreg:$0x0]  }
0x2: {  	s1 =	stileid.u32;
	s6 =	simm.s32 $0x1;
	s9 =	simm.s32 $0x1  }
0x3: {  	s10 =	simm.s32 $0x3;
	s13 =	simm.s32 $0x0;
	s2 =	sshll.u32 s0, $0x6  }
0x4: {  	s12 =	simm.s32 $0x0;
	s3 =	sshll.u32 s1, $0x7;
	s2 =	sand.u32 $0x40, s2  }
0x5: {  	s0 =	rddreg [dreg:$0x1];
	_ =	strace $0x80000050;
	s2 =	sor.u32 s3, s2  }
0x6: {  	s4 =	sadd.s32 $0x515E00, s5;
	[sflag:s6] =	ssyncpa.u1 $0x0;
	s8 =	ssub.s32 $0x1580, s2  }
.Ltmp0:
0x7: {  	s3 =	sadd.s32 $0x2C200, s5;
	s7 =	sand.u32 $0x7C0, s8;
	(pc) =	sbr.rel .LBB2_1-.Ltmp0, $4  }
0x8: {  	s5 =	sadd.s32 $0x27A00, s5;
	s11 =	smov.u32 s2;
	p0 =	sne.s32 s7, $0x0  }
0x9: {  	s8 =	sshrl.u32 s8, $0xB;
	s7 =	simm.s32 $0x2;
	s9 =	simm.s32 @!p0 $0x0  }
0xa: {  	[sflag:s7] =	ssyncpa.u1 $0x0;
	p0 =	por $0x0, $0x0;
	s8 =	sadd.s32 s9, s8  }
0xb: {  	vm0 =	vmmov $0xffff;
	[sflag:s10] =	ssyncpa.u1 $0x0;
	s10 =	simm.s32 $0x0;
	s9 =	sadd.s32 $0x1, s8  }
.LBB2_4:
0xc: {  	v2 =	vnsel vm1, $0x0, v2  }
0xd: {  	vm1 =	vgt.s32 v0, $0x0;
	v2 =	vmin.u32 v2, $0x1187  }
0xe: {  	v0 =	vnsel vm1, $0x0, v0  }
0xf: {  	v0 =	vmin.u32 v0, $0x1187  }
0x10: {  	[tilespmem:s15], [sflag:$0x1] =	stream.indirect_vreg.gather [hbm4b:s3+s10], $0x1, v1, vm0, $0x4038;
	[tilespmem:$0x100] =	vst v63  }
0x11: {  	(ifvalue) =	ssetifvalue $0x7FFFFFFF  }
0x12: {  	[tilespmem:s16], [sflag:$0x1] =	stream.indirect_vreg.gather [hbm4b:s3+s10], $0x1, v2, vm0, $0x4038;
	[tilespmem:$0x100] =	vst v63  }
0x13: {  	s29 =	sadd.s32 $0x10, s16;
	(ifvalue) =	ssetifvalue $0x7FFFFFFF  }
0x14: {  	[tilespmem:s29], [sflag:$0x1] =	stream.indirect_vreg.gather [hbm4b:s3+s10], $0x1, v0, vm0, $0x4038;
	[tilespmem:$0x100] =	vst v63  }
0x15: {  	_ =	swait.ge [sflag:s6], $0x40  }
0x16: {  	s30 =	sshrl.u32 s13, $0x3;
	[sflag:s6] =	ssyncset.done $0x0  }
0x17: {  	s31 =	sand.u32 $0x7, s13;
	s15 =	sadd.s32 s5, s30;
	[sflag:s6] =	ssyncadd.s32 $0xFFFFFFC0  }
0x18: {  	[hbm4b:s15+s31] =	stream.linear.scatter [tilespmem:s14], [sflag:$0x3], $0x40, $0x38;
	[tilespmem:$0x100] =	vst v63  }
.LBB2_5:
0x19: {  	s15 =	sadd.s32 $0x800, s11  }
0x1a: {  	p2 =	sgt.s32 s15, $0x157F  }
0x1b: {  	s15 =	smov.u32 @p2 s2;
	p2 =	sne.s32 s12, s9  }
.Ltmp1:
0x1c: {  	p1 =	slt.u32 s12, $0x2;
	(pc) =	sbr.rel @!p2 .LBB2_6-.Ltmp1, $4  }
0x1d: {  	s14 =	simm.s32 @!p1 $0x3  }
0x1e: {  	s16 =	sadd.s32 $0x1, s12;
	_ =	swait.ge @!p1 [sflag:s14], $0x40  }
0x1f: {  	s13 =	smov.u32 s11;
	p0 =	por !p0, !p0;
	[sflag:s14] =	ssyncset.done @!p1 $0x0  }
0x20: {  	s12 =	smov.u32 s16;
	s11 =	smov.u32 s15;
	[sflag:s14] =	ssyncadd.s32 @!p1 $0xFFFFFFC0  }
.LBB2_1:
0x21: {  	p1 =	sge.u32 s12, s8  }
0x22: {  	s14 =	sxor.u32 @!p1 $0xFFFFFFFF, s12  }
0x23: {  	s31 =	sadd.s32 $0xFFFFFFFF, s12;
	s15 =	sshrl.u32 @!p1 s11, $0x3;
	s14 =	sshll.u32 @!p1 s14, $0x6  }
0x24: {  	s16 =	sand.u32 @!p1 $0x7, s11;
	s15 =	sadd.s32 @!p1 s4, s15;
	s14 =	sand.u32 @!p1 $0x40, s14  }
0x25: {  	[tilespmem:s14], [sflag:$0x2] =	stream.linear.gather @!p1 [hbm4b:s15+s16], $0x40, $0x38;
	[tilespmem:$0x100] =	vst v63  }
0x26: {  	p1 =	sge.u32 s31, s8  }
.Ltmp2:
0x27: {  	_ = 	snop;
	(pc) =	sbr.rel @p1 .LBB2_5-.Ltmp2, $1  }
0x28: {  	_ =	sdelay $0x3  }
0x29: {  	s14 =	simm.s32 $0x1  }
0x2a: {  	_ =	swait.ge [sflag:s7], $0x40;
	s14 =	simm.s32 @!p0 $0x0  }
0x2b: {  	[sflag:s7] =	ssyncset.done $0x0;
	s14 =	sshll.u32 s14, $0x6  }
0x2c: {  	[sflag:s7] =	ssyncadd.s32 $0xFFFFFFC0;
	(ifvalue) =	ssetifvalue $0x7FFFFFFF;
	v0 =	vld.msk [tilespmem:s14+$0x0 ss:$0x1], $0xffff;
	_ =	sdelay $0x4  }
0x2d: {  	s15 =	sadd.s32 $0x10, s14;
	vm1 =	vgt.s32 v0, $0x0  }
0x2e: {  	v2 =	vld.msk [tilespmem:s15+$0x0 ss:$0x1], $0xffff;
	v1 =	vnsel vm1, $0x0, v0  }
0x2f: {  	v1 =	vmin.u32 v1, $0x1187;
	_ =	sdelay $0x1  }
0x30: {  	s16 =	sshll.u32 s12, $0x6;
	s18 =	simm.s32 $0x20  }
0x31: {  	s16 =	sand.u32 $0x40, s16;
	s17 =	sadd.s32 $0x10, s15;
	s15 =	sor.u32 $0x80, s14  }
0x32: {  	s14 =	sor.u32 $0x80, s16;
	s16 =	sadd.s32 $0x10, s15;
	v0 =	vld.msk [tilespmem:s17+$0x0 ss:$0x1], $0xffff;
	vm1 =	vgt.s32 v2, $0x0;
	(ifvalue) =	ssetifvalue $0x7FFFFFFF  }
.LBB2_3:
0x33: {  	[tilespmem:s15], [sflag:$0x1] =	stream.indirect_vreg.gather [hbm4b:s3+s10], $0x1, v1, vm0, $0x4038;
	[tilespmem:$0x100] =	vst v63  }
0x34: {  	s18 =	sadd.s32 $0x10, s18  }
0x35: {  	v2 =	vnsel vm1, $0x0, v2;
	p1 =	slt.u32 s18, $0x30  }
.Ltmp3:
0x36: {  	s15 =	smov.u32 s16;
	v1 =	vmin.u32 v2, $0x1187;
	(pc) =	sbr.rel @p1 .LBB2_3-.Ltmp3, $3  }
0x37: {  	_ =	sdelay $0x1  }
0x38: {  	s17 =	sadd.s32 $0x10, s17  }
0x39: {  	vm1 =	vgt.s32 v0, $0x0;
	s16 =	sadd.s32 $0x10, s16;
	v2 =	vmov v0;
	(ifvalue) =	ssetifvalue $0x7FFFFFFF;
	v0 =	vld.msk [tilespmem:s17+$0x0 ss:$0x1], $0xffff  }
.Ltmp4:
0x3a: {  	_ = 	snop;
	(pc) =	sbr.rel .LBB2_4-.Ltmp4, $1  }
0x3b: {  	_ =	sdelay $0x3  }
.LBB2_6:
0x3c: {  	_ =	sfence.sel $0x180000  }
0x3d: {  	s2 =	simm.s32 $0x2;
	[bflag:$0x0] =	sbarrier.arrive $0xFFFF  }
0x3e: {  	s30 =	simm.s32 $0x3;
	[sflag:s2] =	ssyncpa.u1 $0x1  }
0x3f: {  	s31 =	simm.s32 $0x1;
	[sflag:s30] =	ssyncpa.u1 $0x1  }
0x40: {  	[sflag:s31] =	ssyncpa.u1 $0x1  }
0x41: {  	p0 =	sne.s32 s1, $0x0;
	_ =	strace $0x90000050  }
0x42: {  	s0 =	sadd.s32 @!p0 $0x100000, s0;
	[bflag:$0x2] =	sbarrier.arrive $0xFFFF  }
0x43: {  	[sflag:s0] =	ssyncadd.tile.s32 @!p0 $0x1;
	_ =	shalt  }
.Lfunc_end2:
_tile_overlayer_lowered:
.L_overlay_start_2:
0x44: {  	(tag) =	ssettag $0x2  }
0x45: {  	s0 =	rddreg [dreg:$0x0];
	s2 =	stileid.u32  }
0x46: {  	s1 =	rddreg [dreg:$0x1];
	p0 =	sne.s32 s2, $0x0  }
0x47: {  	s3 =	rddreg [dreg:$0x2];
	[bflag:$0x3] =	sbarrier.arrive $0xFFFF;
	s2 =	simm.s32 @!p0 $0x1C01  }
0x48: {  	[timem:s3], [sflag:s2] =	dma.local @!p0 [hbm:s0], s1  }
0x49: {  	s0 =	simm.s32 @!p0 $0x1  }
0x4a: {  	_ =	swait.ge @!p0 [sflag:s0], s1  }
0x4b: {  	s1 =	ssub.s32 @!p0 $0x0, s1;
	[sflag:s0] =	ssyncset.done @!p0 $0x0  }
0x4c: {  	[sflag:s0] =	ssyncadd.s32 @!p0 s1  }
0x4d: {  	[bflag:$0x3] =	sbarrier.arrive $0xFFFF  }
0x4e: {  	_ =	shalt  }

// kernel: gather_offload_async_start.3
scs
__scs_entry_jumppad:
0x0: {  	(pc) =	sbr.rel $0x88, $3  }
0x1: {  	(tag) =	ssettag $0x0;
	lr =	simm.s32 $0x1  }
0x2: {  	[smem:$0x3F7C] =	sst lr;
	_ =	strace $0xD0000000  }
0x3: {  	_ = 	snop  }
0x4: {  	_ = 	snop  }
0x5: {  	_ = 	snop  }
0x6: {  	_ = 	snop  }
0x7: {  	_ = 	snop  }
__scs_overlays_trampoline_lowered:
0x8: {  	[smem:$0x3F8B] =	sst s0  }
0x9: {  	[smem:$0x3F8C] =	sst s1  }
0xa: {  	[smem:$0x3F8D] =	sst s2  }
0xb: {  	[smem:$0x3F8E] =	sst s3  }
0xc: {  	[smem:$0x3F8F] =	sst s4  }
0xd: {  	[smem:$0x3F90] =	sst s5  }
0xe: {  	[smem:$0x3F91] =	sst s6  }
0xf: {  	[smem:$0x3F92] =	sst s7  }
0x10: {  	[smem:$0x3F93] =	sst s8  }
0x11: {  	[smem:$0x3F94] =	sst s9;
	s0 =	simm.s32 @!p0 $0x0  }
0x12: {  	s1 =	sld [smem:$0x3F7A];
	s0 =	simm.s32 @p0 $0x1  }
0x13: {  	[smem:$0x3F95] =	sst s0;
	s0 =	simm.s32 @!p1 $0x0  }
0x14: {  	s2 =	sld [smem:$0x3F79];
	s0 =	simm.s32 @p1 $0x1  }
0x15: {  	[smem:$0x3F96] =	sst s0;
	s0 =	simm.s32 @!p2 $0x0  }
0x16: {  	s3 =	sld [smem:$0x3FDB];
	s0 =	simm.s32 @p2 $0x1  }
0x17: {  	s4 =	simm.s32 $0x1BF5;
	[smem:$0x3F98] =	sst s0  }
0x18: {  	s0 =	sld [smem:$0x3F7B];
	_ =	swait.ge [sflag:s4], $0x0  }
0x19: {  	s7 =	sld [smem:$0x3F7C]  }
0x1a: {  	s8 =	sadd.s32 $0xFFFFE003, lr  }
0x1b: {  	s9 =	sadd.s32 $0xFFFFFEF7, lr;
	s5 =	simm.s32 $0xFFFFFFFF;
	p2 =	slt.u32 s8, $0xFFFFF086  }
0x1c: {  	p1 =	slt.u32 s9, $0xF7A;
	s5 =	simm.s32 @!p2 $0x0  }
0x1d: {  	s5 =	simm.s32 @p1 $0x1;
	p0 =	seq.s32 s7, s2  }
0x1e: {  	s7 =	smul.u32 @!p0 $0xF7A, s2;
	p2 =	seq.s32 @!p0 s5, $0x0  }
0x1f: {  	s9 =	smul.u32 $0xF7A, s1;
	s8 =	simm.s32 @!p0 $0x1BF5;
	p2 =	por !p2, p0  }
0x20: {  	[sflag:s8] =	ssyncset.s32 @!p0 $0xFFFFF086;
	s6 =	sadd.s32 @!p0 s3, s7;
	s7 =	simm.s32 @!p0 $0x108  }
0x21: {  	s3 =	sadd.s32 s3, s9;
	s6 =	sadd.s32 @!p0 $0x88, s6;
	s7 =	simm.s32 @p2 $0x1082  }
0x22: {  	[simem:s7], [sflag:s8] =	dma.local @!p0 [hbm:s6], $0xF7A  }
0x23: {  	s9 =	sor.u32 $0xD0000000, s2;
	s6 =	simm.s32 $0x108;
	_ =	swait.ge @!p0 [sflag:s8], $0x0  }
0x24: {  	s3 =	sadd.s32 $0x88, s3;
	s6 =	simm.s32 @!p1 $0x1082;
	[sflag:s4] =	ssyncset.s32 $0xFFFFF086  }
0x25: {  	[simem:s6], [sflag:s4] =	dma.local [hbm:s3], $0xF7A  }
0x26: {  	[smem:$0x3F7C] =	sst s1;
	(tag) =	ssettag s2;
	_ =	strace s9  }
0x27: {  	s1 =	sld [smem:$0x3F8C]  }
0x28: {  	s2 =	sld [smem:$0x3F8D]  }
0x29: {  	s4 =	sld [smem:$0x3F8F]  }
0x2a: {  	p0 =	seq.s32 s5, $0x0;
	s5 =	sld [smem:$0x3F90]  }
0x2b: {  	s6 =	sld [smem:$0x3F91]  }
0x2c: {  	s7 =	sld [smem:$0x3F92]  }
0x2d: {  	s3 =	simm.s32 $0x108;
	s8 =	sld [smem:$0x3F93]  }
0x2e: {  	s3 =	simm.s32 @!p0 $0x1082;
	s9 =	sld [smem:$0x3F94]  }
0x2f: {  	lr =	sadd.s32 s0, s3;
	s0 =	sld [smem:$0x3F8B]  }
0x30: {  	s3 =	sld [smem:$0x3F8E]  }
0x31: {  	[smem:$0x3F97] =	sst s10  }
0x32: {  	s10 =	sld [smem:$0x3F95];
	_ =	sdelay $0x3  }
0x33: {  	p0 =	seq.s32 s10, $0x1;
	s10 =	sld [smem:$0x3F97];
	_ =	sdelay $0x3  }
0x34: {  	[smem:$0x3F97] =	sst s10  }
0x35: {  	s10 =	sld [smem:$0x3F96];
	_ =	sdelay $0x3  }
0x36: {  	p1 =	seq.s32 s10, $0x1;
	s10 =	sld [smem:$0x3F97];
	_ =	sdelay $0x3  }
0x37: {  	[smem:$0x3F97] =	sst s10  }
0x38: {  	s10 =	sld [smem:$0x3F98]  }
0x39: {  	_ = 	snop;
	(pc) =	sbr.ind lr, $3  }
0x3a: {  	_ = 	snop  }
0x3b: {  	_ = 	snop  }
0x3c: {  	p2 =	seq.s32 s10, $0x1;
	s10 =	sld [smem:$0x3F97]  }
0x3d: {  	_ =	shalt  }
0x3e: {  	_ =	shalt  }
0x3f: {  	_ =	shalt  }
0x40: {  	_ =	shalt  }
0x41: {  	_ =	shalt  }
0x42: {  	_ =	shalt  }
0x43: {  	_ =	shalt  }
0x44: {  	_ =	shalt  }
0x45: {  	_ =	shalt  }
0x46: {  	_ =	shalt  }
0x47: {  	_ =	shalt  }
0x48: {  	_ =	shalt  }
0x49: {  	_ =	shalt  }
0x4a: {  	_ =	shalt  }
0x4b: {  	_ =	shalt  }
0x4c: {  	_ =	shalt  }
0x4d: {  	_ =	shalt  }
0x4e: {  	_ =	shalt  }
0x4f: {  	_ =	shalt  }
0x50: {  	_ =	shalt  }
0x51: {  	_ =	shalt  }
0x52: {  	_ =	shalt  }
0x53: {  	_ =	shalt  }
0x54: {  	_ =	shalt  }
0x55: {  	_ =	shalt  }
0x56: {  	_ =	shalt  }
0x57: {  	_ =	shalt  }
0x58: {  	_ =	shalt  }
0x59: {  	_ =	shalt  }
0x5a: {  	_ =	shalt  }
0x5b: {  	_ =	shalt  }
0x5c: {  	_ =	shalt  }
0x5d: {  	_ =	shalt  }
0x5e: {  	_ =	shalt  }
0x5f: {  	_ =	shalt  }
0x60: {  	_ =	shalt  }
0x61: {  	_ =	shalt  }
0x62: {  	_ =	shalt  }
0x63: {  	_ =	shalt  }
0x64: {  	_ =	shalt  }
0x65: {  	_ =	shalt  }
0x66: {  	_ =	shalt  }
0x67: {  	_ =	shalt  }
0x68: {  	_ =	shalt  }
0x69: {  	_ =	shalt  }
0x6a: {  	_ =	shalt  }
0x6b: {  	_ =	shalt  }
0x6c: {  	_ =	shalt  }
0x6d: {  	_ =	shalt  }
0x6e: {  	_ =	shalt  }
0x6f: {  	_ =	shalt  }
0x70: {  	_ =	shalt  }
0x71: {  	_ =	shalt  }
0x72: {  	_ =	shalt  }
0x73: {  	_ =	shalt  }
0x74: {  	_ =	shalt  }
0x75: {  	_ =	shalt  }
0x76: {  	_ =	shalt  }
0x77: {  	_ =	shalt  }
0x78: {  	_ =	shalt  }
0x79: {  	_ =	shalt  }
0x7a: {  	_ =	shalt  }
0x7b: {  	_ =	shalt  }
0x7c: {  	_ =	shalt  }
0x7d: {  	_ =	shalt  }
0x7e: {  	_ =	shalt  }
0x7f: {  	_ =	shalt  }
0x80: {  	_ =	shalt  }
0x81: {  	_ =	shalt  }
0x82: {  	_ =	shalt  }
0x83: {  	_ =	shalt  }
0x84: {  	_ =	shalt  }
0x85: {  	_ =	shalt  }
0x86: {  	_ =	shalt  }
0x87: {  	_ =	shalt  }
.Lfunc_end0:
.L_simem_size_0:
called_computation.3_lowered:
.L_overlay_start_0:
0x88: {  	s0 =	sld [smem:$0x3FD9]  }
0x89: {  	s1 =	sld [smem:$0x3FFE];
	_ =	sdelay $0x3  }
0x8a: {  	s0 =	sadd.s32 s1, s0  }
0x8b: {  	[smem:$0x3FA3] =	sst s0  }
0x8c: {  	_ = 	snop  }
0x8d: {  	(tm) =	ssettm $0x1  }
0x8e: {  	s15 =	sld [smem:$0x3FFB];
	_ =	sdelay $0x3  }
0x8f: {  	_ =	strace s15  }
0x90: {  	s0 =	sld [smem:$0x3FFC];
	_ =	sdelay $0x3  }
0x91: {  	_ =	strace s0  }
0x92: {  	s0 =	sld [smem:$0x3FFD];
	_ =	sdelay $0x3  }
0x93: {  	_ =	strace s0  }
0x94: {  	_ =	strace $0x8FFFFFFF  }
0x95: {  	s16 =	sld [smem:$0x3FDB];
	_ =	sdelay $0x1  }
0x96: {  	s17 =	simm.s32 $_scs_section_size  }
0x97: {  	s2 =	simm.s32 $_size__tile_overlayer_lowered;
	s3 =	simm.s32 $_tile_overlayer_lowered  }
0x98: {  	s20 =	simm.s32 $0x1BFF;
	s19 =	sshll.u32 s3, $0x1;
	s0 =	sadd.s32 s17, s16  }
0x99: {  	s4 =	simm.s32 $0x0;
	s18 =	sshll.u32 s2, $0x1;
	s2 =	sadd.s32 s19, s0  }
0x9a: {  	[timem:s4], [sflag:s20] =	dma.local [hbm:s2], s18  }
0x9b: {  	_ =	swait.ge [sflag:s20], s18  }
0x9c: {  	s1 =	ssub.s32 $0x0, s18;
	[sflag:s20] =	ssyncset.done $0x0  }
0x9d: {  	[sflag:s20] =	ssyncadd.s32 s1;
	_ =	sdelay $0x1  }
0x9e: {  	s21 =	simm.s32 $0x1B8B  }
0x9f: {  	_ =	swait.ge [sflag:s21], $0x1  }
0xa0: {  	[sflag:s21] =	ssyncset.done $0x0  }
0xa1: {  	s23 =	simm.s32 $0x1B8E;
	s22 =	sld [smem:$0x3FFE];
	[sflag:s21] =	ssyncadd.s32 $0xFFFFFFFF  }
0xa2: {  	s24 =	simm.s32 $execute0_lowered;
	[smem:$0x3FD2] =	sst s23  }
0xa3: {  	s2 =	sshll.u32 s24, $0x1;
	_ =	strace $0x80000055;
	[dreg:$0x1] =	wrdreg $0xFFFFFFFF  }
0xa4: {  	s25 =	simm.s32 $_size_execute0_lowered;
	s0 =	sadd.s32 s0, s2;
	[dreg:$0x0] =	wrdreg $0x0  }
0xa5: {  	s2 =	sshll.u32 s25, $0x1;
	[dreg:$0x2] =	wrdreg s0  }
0xa6: {  	[dreg:$0x3] =	wrdreg s2  }
0xa7: {  	[dreg:$0x4] =	wrdreg $0xC0  }
0xa8: {  	_ =	task [dreg:s4], $0x5FFFF  }
0xa9: {  	[dreg:$0x1] =	wrdreg $0xFFFFFFFF  }
0xaa: {  	[dreg:$0x0] =	wrdreg $0x60  }
0xab: {  	[dreg:$0x2] =	wrdreg s22  }
0xac: {  	[dreg:$0x3] =	wrdreg $0x9  }
0xad: {  	_ =	task.clear_ibuf [dreg:s4], $0x4FFFF;
	_ =	strace $0x90000055  }
0xae: {  	s26 =	simm.s32 $0x9;
	_ =	strace $0x80000057  }
0xaf: {  	_ =	swait.ge [sflag:s26], $0x1  }
0xb0: {  	[sflag:s26] =	ssyncadd.s32 $0xFFFFFFFF  }
0xb1: {  	_ =	strace $0x90000057  }
0xb2: {  	_ =	sfence  }
0xb3: {  	s28 =	sld [smem:$0x0];
	_ =	sdelay $0x1  }
0xb4: {  	s29 =	srdreg.scid  }
0xb5: {  	s30 =	sshll.u32 s29, $0xD;
	s31 =	sshrl.u32 s29, $0x2  }
0xb6: {  	s1 =	sand.u32 $0x1, s29;
	s2 =	sand.u32 $0x4000, s30;
	s0 =	sadd.s32 s31, s28  }
0xb7: {  	s1 =	sor.u32 s2, s1;
	s0 =	sshll.u32 s0, $0x11  }
0xb8: {  	s0 =	sor.u32 s0, s1  }
0xb9: {  	s0 =	sadd.s32 $0x8F2B, s0  }
0xba: {  	[sflag:s0] =	ssyncadd.remote.s32 $0x1  }
0xbb: {  	_ =	sfence.sel $0xFFFF  }
0xbc: {  	[dreg:$0x0] =	wrdreg $0xFFFFFFFF;
	(pc) =	sbr.abs _section_cstart, $3  }
0xbd: {  	[dreg:$0x1] =	wrdreg $0xFFFFFFFF  }
0xbe: {  	_ =	task.clear_ibuf [dreg:s4], $0x2FFFF;
	_ =	strace $0x9FFFFFFF  }
0xbf: {  	(tm) =	ssettm $0x7FFFFFFF  }
tec
execute0_lowered:
.L_overlay_start_1:
0x0: {  	(tag) =	ssettag $0x1  }
0x1: {  	s5 =	rddreg [dreg:$0x0]  }
0x2: {  	s0 =	rddreg [dreg:$0x1]  }
0x3: {  	_ =	strace $0x80000056;
	s1 =	stileid.u32;
	s6 =	simm.s32 $0x1  }
0x4: {  	s8 =	simm.s32 $0x2;
	s30 =	simm.s32 $0x3;
	s12 =	simm.s32 $0x0  }
0x5: {  	s9 =	simm.s32 $0x0;
	s2 =	sadd.s32 $0x4C5600, s5;
	s4 =	sshll.u32 s1, $0x4  }
0x6: {  	s10 =	simm.s32 $0x0;
	s3 =	sadd.s32 $0x4C5E00, s5;
	s7 =	ssub.s32 $0x1180, s4  }
0x7: {  	s5 =	sadd.s32 $0x4C5A00, s5;
	[sflag:s6] =	ssyncpa.u1 $0x0;
	s6 =	sshrl.u32 s7, $0x8  }
0x8: {  	[sflag:s8] =	ssyncpa.u1 $0x0;
	s11 =	smov.u32 s4;
	s31 =	sshll.u32 s6, $0x4  }
0x9: {  	[sflag:s30] =	ssyncpa.u1 $0x0;
	s7 =	sor.u32 $0x2, s6;
	s8 =	sadd.s32 $0x30, s31  }
.LBB2_1:
0xa: {  	p0 =	sgt.u32 s10, s6  }
0xb: {  	s13 =	sxor.u32 @!p0 $0xFFFFFFFF, s9;
	s14 =	sshrl.u32 @!p0 s11, $0x3  }
0xc: {  	s15 =	sand.u32 @!p0 $0x7, s11;
	s13 =	sand.u32 @!p0 $0x10, s13;
	s14 =	sadd.s32 @!p0 s3, s14  }
0xd: {  	[tilespmem:s13], [sflag:$0x2] =	stream.linear.gather @!p0 [hbm4b:s14+s15], $0x10, $0x38;
	[tilespmem:$0x40] =	vst v63  }
0xe: {  	p0 =	seq.s32 s9, $0x0  }
0xf: {  	p1 =	sge.u32 @!p0 s10, s7  }
0x10: {  	p0 =	por p1, p0  }
0x11: {  	s13 =	simm.s32 @!p0 $0x2  }
0x12: {  	_ =	swait.ge @!p0 [sflag:s13], $0x10  }
0x13: {  	[sflag:s13] =	ssyncset.done @!p0 $0x0  }
0x14: {  	[sflag:s13] =	ssyncadd.s32 @!p0 $0xFFFFFFF0;
	s13 =	sand.u32 @!p0 $0x10, s9  }
0x15: {  	(ifvalue) =	ssetifvalue @!p0 $0x7FFFFFFF;
	v0 =	vld.msk @!p0 [tilespmem:s13+$0x0 ss:$0x1], $0xffff;
	_ =	sdelay $0x4  }
0x16: {  	vm0 =	vgt.s32 @!p0 v0, $0x0  }
0x17: {  	v0 =	vnsel @!p0 vm0, $0x0, v0  }
0x18: {  	v0 =	vmin.u32 @!p0 v0, $0x1187;
	_ =	sdelay $0x3  }
0x19: {  	s14 =	simm.s32 @!p0 $0x0;
	s13 =	sor.u32 @!p0 $0x20, s13;
	(ifvalue) =	ssetifvalue @!p0 $0x7FFFFFFF;
	vm0 =	vmmov @!p0 $0xffff  }
0x1a: {  	[tilespmem:s13], [sflag:$0x1] =	stream.indirect_vreg.gather @!p0 [hbm4b:s2+s14], $0x1, v0, vm0, $0x4038;
	[tilespmem:$0x40] =	vst v63  }
0x1b: {  	s14 =	simm.s32 @!p0 $0x1  }
0x1c: {  	_ =	swait.ge @!p0 [sflag:s14], $0x10  }
0x1d: {  	s15 =	sshrl.u32 @!p0 s12, $0x3;
	[sflag:s14] =	ssyncset.done @!p0 $0x0  }
0x1e: {  	s12 =	sand.u32 @!p0 $0x7, s12;
	[sflag:s14] =	ssyncadd.s32 @!p0 $0xFFFFFFF0;
	s14 =	sadd.s32 @!p0 s5, s15  }
0x1f: {  	[hbm4b:s14+s12] =	stream.linear.scatter @!p0 [tilespmem:s13], [sflag:$0x3], $0x10, $0x38;
	[tilespmem:$0x40] =	vst v63  }
0x20: {  	s14 =	sadd.s32 $0x100, s11  }
0x21: {  	s9 =	sadd.s32 $0x10, s9;
	p1 =	sgt.s32 s14, $0x1187  }
0x22: {  	s14 =	smov.u32 @p1 s4;
	p1 =	sne.s32 s8, s9  }
.Ltmp0:
0x23: {  	p0 =	slt.u32 s10, $0x2;
	(pc) =	sbr.rel @p1 .LBB2_1-.Ltmp0, $4  }
0x24: {  	s13 =	simm.s32 @!p0 $0x3  }
0x25: {  	_ =	swait.ge @!p0 [sflag:s13], $0x10  }
0x26: {  	s12 =	smov.u32 s11;
	[sflag:s13] =	ssyncset.done @!p0 $0x0  }
0x27: {  	s10 =	sadd.s32 $0x1, s10;
	s11 =	smov.u32 s14;
	[sflag:s13] =	ssyncadd.s32 @!p0 $0xFFFFFFF0  }
0x28: {  	_ =	sfence.sel $0x180000  }
0x29: {  	s2 =	simm.s32 $0x2;
	[bflag:$0x0] =	sbarrier.arrive $0xFFFF  }
0x2a: {  	s30 =	simm.s32 $0x3;
	[sflag:s2] =	ssyncpa.u1 $0x1  }
0x2b: {  	s31 =	simm.s32 $0x1;
	[sflag:s30] =	ssyncpa.u1 $0x1  }
0x2c: {  	[sflag:s31] =	ssyncpa.u1 $0x1  }
0x2d: {  	p0 =	sne.s32 s1, $0x0;
	_ =	strace $0x90000056  }
0x2e: {  	s0 =	sadd.s32 @!p0 $0x100000, s0;
	[bflag:$0x2] =	sbarrier.arrive $0xFFFF  }
0x2f: {  	[sflag:s0] =	ssyncadd.tile.s32 @!p0 $0x1;
	_ =	shalt  }
.Lfunc_end2:
_tile_overlayer_lowered:
.L_overlay_start_2:
0x30: {  	(tag) =	ssettag $0x2  }
0x31: {  	s0 =	rddreg [dreg:$0x0];
	s2 =	stileid.u32  }
0x32: {  	s1 =	rddreg [dreg:$0x1];
	p0 =	sne.s32 s2, $0x0  }
0x33: {  	s3 =	rddreg [dreg:$0x2];
	[bflag:$0x3] =	sbarrier.arrive $0xFFFF;
	s2 =	simm.s32 @!p0 $0x1C01  }
0x34: {  	[timem:s3], [sflag:s2] =	dma.local @!p0 [hbm:s0], s1  }
0x35: {  	s0 =	simm.s32 @!p0 $0x1  }
0x36: {  	_ =	swait.ge @!p0 [sflag:s0], s1  }
0x37: {  	s1 =	ssub.s32 @!p0 $0x0, s1;
	[sflag:s0] =	ssyncset.done @!p0 $0x0  }
0x38: {  	[sflag:s0] =	ssyncadd.s32 @!p0 s1  }
0x39: {  	[bflag:$0x3] =	sbarrier.arrive $0xFFFF  }
0x3a: {  	_ =	shalt  }

// kernel: gather_offload_async_start.4
scs
__scs_entry_jumppad:
0x0: {  	(pc) =	sbr.rel $0x88, $3  }
0x1: {  	(tag) =	ssettag $0x0;
	lr =	simm.s32 $0x1  }
0x2: {  	[smem:$0x3F7C] =	sst lr;
	_ =	strace $0xD0000000  }
0x3: {  	_ = 	snop  }
0x4: {  	_ = 	snop  }
0x5: {  	_ = 	snop  }
0x6: {  	_ = 	snop  }
0x7: {  	_ = 	snop  }
__scs_overlays_trampoline_lowered:
0x8: {  	[smem:$0x3F8B] =	sst s0  }
0x9: {  	[smem:$0x3F8C] =	sst s1  }
0xa: {  	[smem:$0x3F8D] =	sst s2  }
0xb: {  	[smem:$0x3F8E] =	sst s3  }
0xc: {  	[smem:$0x3F8F] =	sst s4  }
0xd: {  	[smem:$0x3F90] =	sst s5  }
0xe: {  	[smem:$0x3F91] =	sst s6  }
0xf: {  	[smem:$0x3F92] =	sst s7  }
0x10: {  	[smem:$0x3F93] =	sst s8  }
0x11: {  	[smem:$0x3F94] =	sst s9;
	s0 =	simm.s32 @!p0 $0x0  }
0x12: {  	s1 =	sld [smem:$0x3F7A];
	s0 =	simm.s32 @p0 $0x1  }
0x13: {  	[smem:$0x3F95] =	sst s0;
	s0 =	simm.s32 @!p1 $0x0  }
0x14: {  	s2 =	sld [smem:$0x3F79];
	s0 =	simm.s32 @p1 $0x1  }
0x15: {  	[smem:$0x3F96] =	sst s0;
	s0 =	simm.s32 @!p2 $0x0  }
0x16: {  	s3 =	sld [smem:$0x3FDB];
	s0 =	simm.s32 @p2 $0x1  }
0x17: {  	s4 =	simm.s32 $0x1BF5;
	[smem:$0x3F98] =	sst s0  }
0x18: {  	s0 =	sld [smem:$0x3F7B];
	_ =	swait.ge [sflag:s4], $0x0  }
0x19: {  	s7 =	sld [smem:$0x3F7C]  }
0x1a: {  	s8 =	sadd.s32 $0xFFFFE003, lr  }
0x1b: {  	s9 =	sadd.s32 $0xFFFFFEF7, lr;
	s5 =	simm.s32 $0xFFFFFFFF;
	p2 =	slt.u32 s8, $0xFFFFF086  }
0x1c: {  	p1 =	slt.u32 s9, $0xF7A;
	s5 =	simm.s32 @!p2 $0x0  }
0x1d: {  	s5 =	simm.s32 @p1 $0x1;
	p0 =	seq.s32 s7, s2  }
0x1e: {  	s7 =	smul.u32 @!p0 $0xF7A, s2;
	p2 =	seq.s32 @!p0 s5, $0x0  }
0x1f: {  	s9 =	smul.u32 $0xF7A, s1;
	s8 =	simm.s32 @!p0 $0x1BF5;
	p2 =	por !p2, p0  }
0x20: {  	[sflag:s8] =	ssyncset.s32 @!p0 $0xFFFFF086;
	s6 =	sadd.s32 @!p0 s3, s7;
	s7 =	simm.s32 @!p0 $0x108  }
0x21: {  	s3 =	sadd.s32 s3, s9;
	s6 =	sadd.s32 @!p0 $0x88, s6;
	s7 =	simm.s32 @p2 $0x1082  }
0x22: {  	[simem:s7], [sflag:s8] =	dma.local @!p0 [hbm:s6], $0xF7A  }
0x23: {  	s9 =	sor.u32 $0xD0000000, s2;
	s6 =	simm.s32 $0x108;
	_ =	swait.ge @!p0 [sflag:s8], $0x0  }
0x24: {  	s3 =	sadd.s32 $0x88, s3;
	s6 =	simm.s32 @!p1 $0x1082;
	[sflag:s4] =	ssyncset.s32 $0xFFFFF086  }
0x25: {  	[simem:s6], [sflag:s4] =	dma.local [hbm:s3], $0xF7A  }
0x26: {  	[smem:$0x3F7C] =	sst s1;
	(tag) =	ssettag s2;
	_ =	strace s9  }
0x27: {  	s1 =	sld [smem:$0x3F8C]  }
0x28: {  	s2 =	sld [smem:$0x3F8D]  }
0x29: {  	s4 =	sld [smem:$0x3F8F]  }
0x2a: {  	p0 =	seq.s32 s5, $0x0;
	s5 =	sld [smem:$0x3F90]  }
0x2b: {  	s6 =	sld [smem:$0x3F91]  }
0x2c: {  	s7 =	sld [smem:$0x3F92]  }
0x2d: {  	s3 =	simm.s32 $0x108;
	s8 =	sld [smem:$0x3F93]  }
0x2e: {  	s3 =	simm.s32 @!p0 $0x1082;
	s9 =	sld [smem:$0x3F94]  }
0x2f: {  	lr =	sadd.s32 s0, s3;
	s0 =	sld [smem:$0x3F8B]  }
0x30: {  	s3 =	sld [smem:$0x3F8E]  }
0x31: {  	[smem:$0x3F97] =	sst s10  }
0x32: {  	s10 =	sld [smem:$0x3F95];
	_ =	sdelay $0x3  }
0x33: {  	p0 =	seq.s32 s10, $0x1;
	s10 =	sld [smem:$0x3F97];
	_ =	sdelay $0x3  }
0x34: {  	[smem:$0x3F97] =	sst s10  }
0x35: {  	s10 =	sld [smem:$0x3F96];
	_ =	sdelay $0x3  }
0x36: {  	p1 =	seq.s32 s10, $0x1;
	s10 =	sld [smem:$0x3F97];
	_ =	sdelay $0x3  }
0x37: {  	[smem:$0x3F97] =	sst s10  }
0x38: {  	s10 =	sld [smem:$0x3F98]  }
0x39: {  	_ = 	snop;
	(pc) =	sbr.ind lr, $3  }
0x3a: {  	_ = 	snop  }
0x3b: {  	_ = 	snop  }
0x3c: {  	p2 =	seq.s32 s10, $0x1;
	s10 =	sld [smem:$0x3F97]  }
0x3d: {  	_ =	shalt  }
0x3e: {  	_ =	shalt  }
0x3f: {  	_ =	shalt  }
0x40: {  	_ =	shalt  }
0x41: {  	_ =	shalt  }
0x42: {  	_ =	shalt  }
0x43: {  	_ =	shalt  }
0x44: {  	_ =	shalt  }
0x45: {  	_ =	shalt  }
0x46: {  	_ =	shalt  }
0x47: {  	_ =	shalt  }
0x48: {  	_ =	shalt  }
0x49: {  	_ =	shalt  }
0x4a: {  	_ =	shalt  }
0x4b: {  	_ =	shalt  }
0x4c: {  	_ =	shalt  }
0x4d: {  	_ =	shalt  }
0x4e: {  	_ =	shalt  }
0x4f: {  	_ =	shalt  }
0x50: {  	_ =	shalt  }
0x51: {  	_ =	shalt  }
0x52: {  	_ =	shalt  }
0x53: {  	_ =	shalt  }
0x54: {  	_ =	shalt  }
0x55: {  	_ =	shalt  }
0x56: {  	_ =	shalt  }
0x57: {  	_ =	shalt  }
0x58: {  	_ =	shalt  }
0x59: {  	_ =	shalt  }
0x5a: {  	_ =	shalt  }
0x5b: {  	_ =	shalt  }
0x5c: {  	_ =	shalt  }
0x5d: {  	_ =	shalt  }
0x5e: {  	_ =	shalt  }
0x5f: {  	_ =	shalt  }
0x60: {  	_ =	shalt  }
0x61: {  	_ =	shalt  }
0x62: {  	_ =	shalt  }
0x63: {  	_ =	shalt  }
0x64: {  	_ =	shalt  }
0x65: {  	_ =	shalt  }
0x66: {  	_ =	shalt  }
0x67: {  	_ =	shalt  }
0x68: {  	_ =	shalt  }
0x69: {  	_ =	shalt  }
0x6a: {  	_ =	shalt  }
0x6b: {  	_ =	shalt  }
0x6c: {  	_ =	shalt  }
0x6d: {  	_ =	shalt  }
0x6e: {  	_ =	shalt  }
0x6f: {  	_ =	shalt  }
0x70: {  	_ =	shalt  }
0x71: {  	_ =	shalt  }
0x72: {  	_ =	shalt  }
0x73: {  	_ =	shalt  }
0x74: {  	_ =	shalt  }
0x75: {  	_ =	shalt  }
0x76: {  	_ =	shalt  }
0x77: {  	_ =	shalt  }
0x78: {  	_ =	shalt  }
0x79: {  	_ =	shalt  }
0x7a: {  	_ =	shalt  }
0x7b: {  	_ =	shalt  }
0x7c: {  	_ =	shalt  }
0x7d: {  	_ =	shalt  }
0x7e: {  	_ =	shalt  }
0x7f: {  	_ =	shalt  }
0x80: {  	_ =	shalt  }
0x81: {  	_ =	shalt  }
0x82: {  	_ =	shalt  }
0x83: {  	_ =	shalt  }
0x84: {  	_ =	shalt  }
0x85: {  	_ =	shalt  }
0x86: {  	_ =	shalt  }
0x87: {  	_ =	shalt  }
.Lfunc_end0:
.L_simem_size_0:
called_computation.4_lowered:
.L_overlay_start_0:
0x88: {  	s2 =	sld [smem:$0x3FD9]  }
0x89: {  	s3 =	sld [smem:$0x3FFE];
	_ =	sdelay $0x1  }
0x8a: {  	s1 =	srdreg.scid  }
0x8b: {  	s0 =	sand.u32 $0x1, s1  }
0x8c: {  	s16 =	sshll.u32 s0, $0xA;
	s2 =	sadd.s32 s3, s2  }
0x8d: {  	s2 =	sadd.s32 s2, s16  }
0x8e: {  	[smem:$0x3FA3] =	sst s2  }
0x8f: {  	_ = 	snop  }
0x90: {  	(tm) =	ssettm $0x1  }
0x91: {  	s17 =	sld [smem:$0x3FFB];
	_ =	sdelay $0x3  }
0x92: {  	_ =	strace s17  }
0x93: {  	s2 =	sld [smem:$0x3FFC];
	_ =	sdelay $0x3  }
0x94: {  	_ =	strace s2  }
0x95: {  	s2 =	sld [smem:$0x3FFD];
	_ =	sdelay $0x3  }
0x96: {  	_ =	strace s2  }
0x97: {  	_ =	strace $0x8FFFFFFF  }
0x98: {  	s18 =	sld [smem:$0x3FDB];
	_ =	sdelay $0x1  }
0x99: {  	s19 =	simm.s32 $_scs_section_size  }
0x9a: {  	s4 =	simm.s32 $_size__tile_overlayer_lowered;
	s5 =	simm.s32 $_tile_overlayer_lowered  }
0x9b: {  	s22 =	simm.s32 $0x1BFF;
	s21 =	sshll.u32 s5, $0x1;
	s2 =	sadd.s32 s19, s18  }
0x9c: {  	s6 =	simm.s32 $0x0;
	s20 =	sshll.u32 s4, $0x1;
	s4 =	sadd.s32 s21, s2  }
0x9d: {  	[timem:s6], [sflag:s22] =	dma.local [hbm:s4], s20  }
0x9e: {  	_ =	swait.ge [sflag:s22], s20  }
0x9f: {  	s3 =	ssub.s32 $0x0, s20;
	[sflag:s22] =	ssyncset.done $0x0  }
0xa0: {  	[sflag:s22] =	ssyncadd.s32 s3;
	_ =	sdelay $0x1  }
0xa1: {  	s23 =	simm.s32 $0x1B8B  }
0xa2: {  	_ =	swait.ge [sflag:s23], $0x1  }
0xa3: {  	[sflag:s23] =	ssyncset.done $0x0  }
0xa4: {  	s25 =	simm.s32 $0x1B8E;
	s24 =	sld [smem:$0x3FFE];
	[sflag:s23] =	ssyncadd.s32 $0xFFFFFFFF  }
0xa5: {  	s26 =	simm.s32 $execute0_lowered;
	[smem:$0x3FD2] =	sst s25  }
0xa6: {  	s4 =	sshll.u32 s26, $0x1;
	_ =	strace $0x80000052;
	[dreg:$0x1] =	wrdreg $0xFFFFFFFF  }
0xa7: {  	s28 =	simm.s32 $_size_execute0_lowered;
	s2 =	sadd.s32 s2, s4;
	[dreg:$0x0] =	wrdreg $0x0  }
0xa8: {  	s4 =	sshll.u32 s28, $0x1;
	[dreg:$0x2] =	wrdreg s2  }
0xa9: {  	[dreg:$0x3] =	wrdreg s4  }
0xaa: {  	[dreg:$0x4] =	wrdreg $0xC0  }
0xab: {  	_ =	task [dreg:s6], $0x5FFFF  }
0xac: {  	[dreg:$0x1] =	wrdreg $0xFFFFFFFF  }
0xad: {  	[dreg:$0x0] =	wrdreg $0x60  }
0xae: {  	[dreg:$0x2] =	wrdreg s24  }
0xaf: {  	[dreg:$0x3] =	wrdreg $0x9  }
0xb0: {  	_ =	task.clear_ibuf [dreg:s6], $0x4FFFF;
	_ =	strace $0x90000052  }
0xb1: {  	s29 =	simm.s32 $0x9;
	_ =	strace $0x80000054  }
0xb2: {  	_ =	swait.ge [sflag:s29], $0x1  }
0xb3: {  	[sflag:s29] =	ssyncadd.s32 $0xFFFFFFFF  }
0xb4: {  	_ =	strace $0x90000054  }
0xb5: {  	_ =	sfence  }
0xb6: {  	s30 =	sld [smem:$0x0];
	_ =	sdelay $0x2  }
0xb7: {  	s31 =	sshll.u32 s1, $0xD;
	s1 =	sshrl.u32 s1, $0x2  }
0xb8: {  	s3 =	sand.u32 $0x4000, s31;
	s1 =	sadd.s32 s1, s30  }
0xb9: {  	s0 =	sor.u32 s3, s0;
	s1 =	sshll.u32 s1, $0x11  }
0xba: {  	s0 =	sor.u32 s1, s0  }
0xbb: {  	s0 =	sadd.s32 $0x8F2B, s0  }
0xbc: {  	[sflag:s0] =	ssyncadd.remote.s32 $0x1  }
0xbd: {  	_ =	sfence.sel $0xFFFF  }
0xbe: {  	[dreg:$0x0] =	wrdreg $0xFFFFFFFF;
	(pc) =	sbr.abs _section_cstart, $3  }
0xbf: {  	[dreg:$0x1] =	wrdreg $0xFFFFFFFF  }
0xc0: {  	_ =	task.clear_ibuf [dreg:s6], $0x2FFFF;
	_ =	strace $0x9FFFFFFF  }
0xc1: {  	(tm) =	ssettm $0x7FFFFFFF  }
tec
execute0_lowered:
.L_overlay_start_1:
0x0: {  	(tag) =	ssettag $0x1  }
0x1: {  	s0 =	srdreg.scid;
	s5 =	rddreg [dreg:$0x0]  }
0x2: {  	s1 =	stileid.u32;
	s6 =	simm.s32 $0x1;
	s9 =	simm.s32 $0x1  }
0x3: {  	s10 =	simm.s32 $0x3;
	s13 =	simm.s32 $0x0;
	s2 =	sshll.u32 s0, $0x6  }
0x4: {  	s12 =	simm.s32 $0x0;
	s3 =	sshll.u32 s1, $0x7;
	s4 =	sand.u32 $0x40, s2  }
0x5: {  	s0 =	rddreg [dreg:$0x1];
	_ =	strace $0x80000053;
	s3 =	sor.u32 s3, s4  }
0x6: {  	s2 =	sadd.s32 $0x4C5A00, s5;
	[sflag:s6] =	ssyncpa.u1 $0x0;
	s8 =	ssub.s32 $0x1580, s3  }
.Ltmp0:
0x7: {  	s4 =	sadd.s32 $0x4C4E00, s5;
	s7 =	sand.u32 $0x7C0, s8;
	(pc) =	sbr.rel .LBB2_1-.Ltmp0, $4  }
0x8: {  	s5 =	sadd.s32 $0x4C6A00, s5;
	s11 =	smov.u32 s3;
	p0 =	sne.s32 s7, $0x0  }
0x9: {  	s8 =	sshrl.u32 s8, $0xB;
	s7 =	simm.s32 $0x2;
	s9 =	simm.s32 @!p0 $0x0  }
0xa: {  	[sflag:s7] =	ssyncpa.u1 $0x0;
	p0 =	por $0x0, $0x0;
	s8 =	sadd.s32 s9, s8  }
0xb: {  	vm0 =	vmmov $0xffff;
	[sflag:s10] =	ssyncpa.u1 $0x0;
	s10 =	simm.s32 $0x0;
	s9 =	sadd.s32 $0x1, s8  }
.LBB2_4:
0xc: {  	v2 =	vnsel vm1, $0x0, v2  }
0xd: {  	vm1 =	vgt.s32 v0, $0x0;
	v2 =	vmin.u32 v2, $0x1187  }
0xe: {  	v0 =	vnsel vm1, $0x0, v0  }
0xf: {  	v0 =	vmin.u32 v0, $0x1187  }
0x10: {  	[tilespmem:s15], [sflag:$0x1] =	stream.indirect_vreg.gather [hbm4b:s2+s10], $0x1, v1, vm0, $0x4038;
	[tilespmem:$0x100] =	vst v63  }
0x11: {  	(ifvalue) =	ssetifvalue $0x7FFFFFFF  }
0x12: {  	[tilespmem:s16], [sflag:$0x1] =	stream.indirect_vreg.gather [hbm4b:s2+s10], $0x1, v2, vm0, $0x4038;
	[tilespmem:$0x100] =	vst v63  }
0x13: {  	s29 =	sadd.s32 $0x10, s16;
	(ifvalue) =	ssetifvalue $0x7FFFFFFF  }
0x14: {  	[tilespmem:s29], [sflag:$0x1] =	stream.indirect_vreg.gather [hbm4b:s2+s10], $0x1, v0, vm0, $0x4038;
	[tilespmem:$0x100] =	vst v63  }
0x15: {  	_ =	swait.ge [sflag:s6], $0x40  }
0x16: {  	s30 =	sshrl.u32 s13, $0x3;
	[sflag:s6] =	ssyncset.done $0x0  }
0x17: {  	s31 =	sand.u32 $0x7, s13;
	s15 =	sadd.s32 s5, s30;
	[sflag:s6] =	ssyncadd.s32 $0xFFFFFFC0  }
0x18: {  	[hbm4b:s15+s31] =	stream.linear.scatter [tilespmem:s14], [sflag:$0x3], $0x40, $0x38;
	[tilespmem:$0x100] =	vst v63  }
.LBB2_5:
0x19: {  	s15 =	sadd.s32 $0x800, s11  }
0x1a: {  	p2 =	sgt.s32 s15, $0x157F  }
0x1b: {  	s15 =	smov.u32 @p2 s3;
	p2 =	sne.s32 s12, s9  }
.Ltmp1:
0x1c: {  	p1 =	slt.u32 s12, $0x2;
	(pc) =	sbr.rel @!p2 .LBB2_6-.Ltmp1, $4  }
0x1d: {  	s14 =	simm.s32 @!p1 $0x3  }
0x1e: {  	s16 =	sadd.s32 $0x1, s12;
	_ =	swait.ge @!p1 [sflag:s14], $0x40  }
0x1f: {  	s13 =	smov.u32 s11;
	p0 =	por !p0, !p0;
	[sflag:s14] =	ssyncset.done @!p1 $0x0  }
0x20: {  	s12 =	smov.u32 s16;
	s11 =	smov.u32 s15;
	[sflag:s14] =	ssyncadd.s32 @!p1 $0xFFFFFFC0  }
.LBB2_1:
0x21: {  	p1 =	sge.u32 s12, s8  }
0x22: {  	s14 =	sxor.u32 @!p1 $0xFFFFFFFF, s12  }
0x23: {  	s31 =	sadd.s32 $0xFFFFFFFF, s12;
	s15 =	sshrl.u32 @!p1 s11, $0x3;
	s14 =	sshll.u32 @!p1 s14, $0x6  }
0x24: {  	s16 =	sand.u32 @!p1 $0x7, s11;
	s15 =	sadd.s32 @!p1 s4, s15;
	s14 =	sand.u32 @!p1 $0x40, s14  }
0x25: {  	[tilespmem:s14], [sflag:$0x2] =	stream.linear.gather @!p1 [hbm4b:s15+s16], $0x40, $0x38;
	[tilespmem:$0x100] =	vst v63  }
0x26: {  	p1 =	sge.u32 s31, s8  }
.Ltmp2:
0x27: {  	_ = 	snop;
	(pc) =	sbr.rel @p1 .LBB2_5-.Ltmp2, $1  }
0x28: {  	_ =	sdelay $0x3  }
0x29: {  	s14 =	simm.s32 $0x1  }
0x2a: {  	_ =	swait.ge [sflag:s7], $0x40;
	s14 =	simm.s32 @!p0 $0x0  }
0x2b: {  	[sflag:s7] =	ssyncset.done $0x0;
	s14 =	sshll.u32 s14, $0x6  }
0x2c: {  	[sflag:s7] =	ssyncadd.s32 $0xFFFFFFC0;
	(ifvalue) =	ssetifvalue $0x7FFFFFFF;
	v0 =	vld.msk [tilespmem:s14+$0x0 ss:$0x1], $0xffff;
	_ =	sdelay $0x4  }
0x2d: {  	s15 =	sadd.s32 $0x10, s14;
	vm1 =	vgt.s32 v0, $0x0  }
0x2e: {  	v2 =	vld.msk [tilespmem:s15+$0x0 ss:$0x1], $0xffff;
	v1 =	vnsel vm1, $0x0, v0  }
0x2f: {  	v1 =	vmin.u32 v1, $0x1187;
	_ =	sdelay $0x1  }
0x30: {  	s16 =	sshll.u32 s12, $0x6;
	s18 =	simm.s32 $0x20  }
0x31: {  	s16 =	sand.u32 $0x40, s16;
	s17 =	sadd.s32 $0x10, s15;
	s15 =	sor.u32 $0x80, s14  }
0x32: {  	s14 =	sor.u32 $0x80, s16;
	s16 =	sadd.s32 $0x10, s15;
	v0 =	vld.msk [tilespmem:s17+$0x0 ss:$0x1], $0xffff;
	vm1 =	vgt.s32 v2, $0x0;
	(ifvalue) =	ssetifvalue $0x7FFFFFFF  }
.LBB2_3:
0x33: {  	[tilespmem:s15], [sflag:$0x1] =	stream.indirect_vreg.gather [hbm4b:s2+s10], $0x1, v1, vm0, $0x4038;
	[tilespmem:$0x100] =	vst v63  }
0x34: {  	s18 =	sadd.s32 $0x10, s18  }
0x35: {  	v2 =	vnsel vm1, $0x0, v2;
	p1 =	slt.u32 s18, $0x30  }
.Ltmp3:
0x36: {  	s15 =	smov.u32 s16;
	v1 =	vmin.u32 v2, $0x1187;
	(pc) =	sbr.rel @p1 .LBB2_3-.Ltmp3, $3  }
0x37: {  	_ =	sdelay $0x1  }
0x38: {  	s17 =	sadd.s32 $0x10, s17  }
0x39: {  	vm1 =	vgt.s32 v0, $0x0;
	s16 =	sadd.s32 $0x10, s16;
	v2 =	vmov v0;
	(ifvalue) =	ssetifvalue $0x7FFFFFFF;
	v0 =	vld.msk [tilespmem:s17+$0x0 ss:$0x1], $0xffff  }
.Ltmp4:
0x3a: {  	_ = 	snop;
	(pc) =	sbr.rel .LBB2_4-.Ltmp4, $1  }
0x3b: {  	_ =	sdelay $0x3  }
.LBB2_6:
0x3c: {  	_ =	sfence.sel $0x180000  }
0x3d: {  	s2 =	simm.s32 $0x2;
	[bflag:$0x0] =	sbarrier.arrive $0xFFFF  }
0x3e: {  	s30 =	simm.s32 $0x3;
	[sflag:s2] =	ssyncpa.u1 $0x1  }
0x3f: {  	s31 =	simm.s32 $0x1;
	[sflag:s30] =	ssyncpa.u1 $0x1  }
0x40: {  	[sflag:s31] =	ssyncpa.u1 $0x1  }
0x41: {  	p0 =	sne.s32 s1, $0x0;
	_ =	strace $0x90000053  }
0x42: {  	s0 =	sadd.s32 @!p0 $0x100000, s0;
	[bflag:$0x2] =	sbarrier.arrive $0xFFFF  }
0x43: {  	[sflag:s0] =	ssyncadd.tile.s32 @!p0 $0x1;
	_ =	shalt  }
.Lfunc_end2:
_tile_overlayer_lowered:
.L_overlay_start_2:
0x44: {  	(tag) =	ssettag $0x2  }
0x45: {  	s0 =	rddreg [dreg:$0x0];
	s2 =	stileid.u32  }
0x46: {  	s1 =	rddreg [dreg:$0x1];
	p0 =	sne.s32 s2, $0x0  }
0x47: {  	s3 =	rddreg [dreg:$0x2];
	[bflag:$0x3] =	sbarrier.arrive $0xFFFF;
	s2 =	simm.s32 @!p0 $0x1C01  }
0x48: {  	[timem:s3], [sflag:s2] =	dma.local @!p0 [hbm:s0], s1  }
0x49: {  	s0 =	simm.s32 @!p0 $0x1  }
0x4a: {  	_ =	swait.ge @!p0 [sflag:s0], s1  }
0x4b: {  	s1 =	ssub.s32 @!p0 $0x0, s1;
	[sflag:s0] =	ssyncset.done @!p0 $0x0  }
0x4c: {  	[sflag:s0] =	ssyncadd.s32 @!p0 s1  }
0x4d: {  	[bflag:$0x3] =	sbarrier.arrive $0xFFFF  }
0x4e: {  	_ =	shalt  }

// kernel: gather_offload_async_start.5
scs
__scs_entry_jumppad:
0x0: {  	(pc) =	sbr.rel $0x88, $3  }
0x1: {  	(tag) =	ssettag $0x0;
	lr =	simm.s32 $0x1  }
0x2: {  	[smem:$0x3F7C] =	sst lr;
	_ =	strace $0xD0000000  }
0x3: {  	_ = 	snop  }
0x4: {  	_ = 	snop  }
0x5: {  	_ = 	snop  }
0x6: {  	_ = 	snop  }
0x7: {  	_ = 	snop  }
__scs_overlays_trampoline_lowered:
0x8: {  	[smem:$0x3F8B] =	sst s0  }
0x9: {  	[smem:$0x3F8C] =	sst s1  }
0xa: {  	[smem:$0x3F8D] =	sst s2  }
0xb: {  	[smem:$0x3F8E] =	sst s3  }
0xc: {  	[smem:$0x3F8F] =	sst s4  }
0xd: {  	[smem:$0x3F90] =	sst s5  }
0xe: {  	[smem:$0x3F91] =	sst s6  }
0xf: {  	[smem:$0x3F92] =	sst s7  }
0x10: {  	[smem:$0x3F93] =	sst s8  }
0x11: {  	[smem:$0x3F94] =	sst s9;
	s0 =	simm.s32 @!p0 $0x0  }
0x12: {  	s1 =	sld [smem:$0x3F7A];
	s0 =	simm.s32 @p0 $0x1  }
0x13: {  	[smem:$0x3F95] =	sst s0;
	s0 =	simm.s32 @!p1 $0x0  }
0x14: {  	s2 =	sld [smem:$0x3F79];
	s0 =	simm.s32 @p1 $0x1  }
0x15: {  	[smem:$0x3F96] =	sst s0;
	s0 =	simm.s32 @!p2 $0x0  }
0x16: {  	s3 =	sld [smem:$0x3FDB];
	s0 =	simm.s32 @p2 $0x1  }
0x17: {  	s4 =	simm.s32 $0x1BF5;
	[smem:$0x3F98] =	sst s0  }
0x18: {  	s0 =	sld [smem:$0x3F7B];
	_ =	swait.ge [sflag:s4], $0x0  }
0x19: {  	s7 =	sld [smem:$0x3F7C]  }
0x1a: {  	s8 =	sadd.s32 $0xFFFFE003, lr  }
0x1b: {  	s9 =	sadd.s32 $0xFFFFFEF7, lr;
	s5 =	simm.s32 $0xFFFFFFFF;
	p2 =	slt.u32 s8, $0xFFFFF086  }
0x1c: {  	p1 =	slt.u32 s9, $0xF7A;
	s5 =	simm.s32 @!p2 $0x0  }
0x1d: {  	s5 =	simm.s32 @p1 $0x1;
	p0 =	seq.s32 s7, s2  }
0x1e: {  	s7 =	smul.u32 @!p0 $0xF7A, s2;
	p2 =	seq.s32 @!p0 s5, $0x0  }
0x1f: {  	s9 =	smul.u32 $0xF7A, s1;
	s8 =	simm.s32 @!p0 $0x1BF5;
	p2 =	por !p2, p0  }
0x20: {  	[sflag:s8] =	ssyncset.s32 @!p0 $0xFFFFF086;
	s6 =	sadd.s32 @!p0 s3, s7;
	s7 =	simm.s32 @!p0 $0x108  }
0x21: {  	s3 =	sadd.s32 s3, s9;
	s6 =	sadd.s32 @!p0 $0x88, s6;
	s7 =	simm.s32 @p2 $0x1082  }
0x22: {  	[simem:s7], [sflag:s8] =	dma.local @!p0 [hbm:s6], $0xF7A  }
0x23: {  	s9 =	sor.u32 $0xD0000000, s2;
	s6 =	simm.s32 $0x108;
	_ =	swait.ge @!p0 [sflag:s8], $0x0  }
0x24: {  	s3 =	sadd.s32 $0x88, s3;
	s6 =	simm.s32 @!p1 $0x1082;
	[sflag:s4] =	ssyncset.s32 $0xFFFFF086  }
0x25: {  	[simem:s6], [sflag:s4] =	dma.local [hbm:s3], $0xF7A  }
0x26: {  	[smem:$0x3F7C] =	sst s1;
	(tag) =	ssettag s2;
	_ =	strace s9  }
0x27: {  	s1 =	sld [smem:$0x3F8C]  }
0x28: {  	s2 =	sld [smem:$0x3F8D]  }
0x29: {  	s4 =	sld [smem:$0x3F8F]  }
0x2a: {  	p0 =	seq.s32 s5, $0x0;
	s5 =	sld [smem:$0x3F90]  }
0x2b: {  	s6 =	sld [smem:$0x3F91]  }
0x2c: {  	s7 =	sld [smem:$0x3F92]  }
0x2d: {  	s3 =	simm.s32 $0x108;
	s8 =	sld [smem:$0x3F93]  }
0x2e: {  	s3 =	simm.s32 @!p0 $0x1082;
	s9 =	sld [smem:$0x3F94]  }
0x2f: {  	lr =	sadd.s32 s0, s3;
	s0 =	sld [smem:$0x3F8B]  }
0x30: {  	s3 =	sld [smem:$0x3F8E]  }
0x31: {  	[smem:$0x3F97] =	sst s10  }
0x32: {  	s10 =	sld [smem:$0x3F95];
	_ =	sdelay $0x3  }
0x33: {  	p0 =	seq.s32 s10, $0x1;
	s10 =	sld [smem:$0x3F97];
	_ =	sdelay $0x3  }
0x34: {  	[smem:$0x3F97] =	sst s10  }
0x35: {  	s10 =	sld [smem:$0x3F96];
	_ =	sdelay $0x3  }
0x36: {  	p1 =	seq.s32 s10, $0x1;
	s10 =	sld [smem:$0x3F97];
	_ =	sdelay $0x3  }
0x37: {  	[smem:$0x3F97] =	sst s10  }
0x38: {  	s10 =	sld [smem:$0x3F98]  }
0x39: {  	_ = 	snop;
	(pc) =	sbr.ind lr, $3  }
0x3a: {  	_ = 	snop  }
0x3b: {  	_ = 	snop  }
0x3c: {  	p2 =	seq.s32 s10, $0x1;
	s10 =	sld [smem:$0x3F97]  }
0x3d: {  	_ =	shalt  }
0x3e: {  	_ =	shalt  }
0x3f: {  	_ =	shalt  }
0x40: {  	_ =	shalt  }
0x41: {  	_ =	shalt  }
0x42: {  	_ =	shalt  }
0x43: {  	_ =	shalt  }
0x44: {  	_ =	shalt  }
0x45: {  	_ =	shalt  }
0x46: {  	_ =	shalt  }
0x47: {  	_ =	shalt  }
0x48: {  	_ =	shalt  }
0x49: {  	_ =	shalt  }
0x4a: {  	_ =	shalt  }
0x4b: {  	_ =	shalt  }
0x4c: {  	_ =	shalt  }
0x4d: {  	_ =	shalt  }
0x4e: {  	_ =	shalt  }
0x4f: {  	_ =	shalt  }
0x50: {  	_ =	shalt  }
0x51: {  	_ =	shalt  }
0x52: {  	_ =	shalt  }
0x53: {  	_ =	shalt  }
0x54: {  	_ =	shalt  }
0x55: {  	_ =	shalt  }
0x56: {  	_ =	shalt  }
0x57: {  	_ =	shalt  }
0x58: {  	_ =	shalt  }
0x59: {  	_ =	shalt  }
0x5a: {  	_ =	shalt  }
0x5b: {  	_ =	shalt  }
0x5c: {  	_ =	shalt  }
0x5d: {  	_ =	shalt  }
0x5e: {  	_ =	shalt  }
0x5f: {  	_ =	shalt  }
0x60: {  	_ =	shalt  }
0x61: {  	_ =	shalt  }
0x62: {  	_ =	shalt  }
0x63: {  	_ =	shalt  }
0x64: {  	_ =	shalt  }
0x65: {  	_ =	shalt  }
0x66: {  	_ =	shalt  }
0x67: {  	_ =	shalt  }
0x68: {  	_ =	shalt  }
0x69: {  	_ =	shalt  }
0x6a: {  	_ =	shalt  }
0x6b: {  	_ =	shalt  }
0x6c: {  	_ =	shalt  }
0x6d: {  	_ =	shalt  }
0x6e: {  	_ =	shalt  }
0x6f: {  	_ =	shalt  }
0x70: {  	_ =	shalt  }
0x71: {  	_ =	shalt  }
0x72: {  	_ =	shalt  }
0x73: {  	_ =	shalt  }
0x74: {  	_ =	shalt  }
0x75: {  	_ =	shalt  }
0x76: {  	_ =	shalt  }
0x77: {  	_ =	shalt  }
0x78: {  	_ =	shalt  }
0x79: {  	_ =	shalt  }
0x7a: {  	_ =	shalt  }
0x7b: {  	_ =	shalt  }
0x7c: {  	_ =	shalt  }
0x7d: {  	_ =	shalt  }
0x7e: {  	_ =	shalt  }
0x7f: {  	_ =	shalt  }
0x80: {  	_ =	shalt  }
0x81: {  	_ =	shalt  }
0x82: {  	_ =	shalt  }
0x83: {  	_ =	shalt  }
0x84: {  	_ =	shalt  }
0x85: {  	_ =	shalt  }
0x86: {  	_ =	shalt  }
0x87: {  	_ =	shalt  }
.Lfunc_end0:
.L_simem_size_0:
called_computation.5_lowered:
.L_overlay_start_0:
0x88: {  	s2 =	sld [smem:$0x3FD9]  }
0x89: {  	s3 =	sld [smem:$0x3FFE];
	_ =	sdelay $0x1  }
0x8a: {  	s1 =	srdreg.scid  }
0x8b: {  	s0 =	sand.u32 $0x1, s1  }
0x8c: {  	s16 =	sshll.u32 s0, $0xA;
	s2 =	sadd.s32 s3, s2  }
0x8d: {  	s2 =	sadd.s32 s2, s16  }
0x8e: {  	[smem:$0x3FA3] =	sst s2  }
0x8f: {  	_ = 	snop  }
0x90: {  	(tm) =	ssettm $0x1  }
0x91: {  	s17 =	sld [smem:$0x3FFB];
	_ =	sdelay $0x3  }
0x92: {  	_ =	strace s17  }
0x93: {  	s2 =	sld [smem:$0x3FFC];
	_ =	sdelay $0x3  }
0x94: {  	_ =	strace s2  }
0x95: {  	s2 =	sld [smem:$0x3FFD];
	_ =	sdelay $0x3  }
0x96: {  	_ =	strace s2  }
0x97: {  	_ =	strace $0x8FFFFFFF  }
0x98: {  	s18 =	sld [smem:$0x3FDB];
	_ =	sdelay $0x1  }
0x99: {  	s19 =	simm.s32 $_scs_section_size  }
0x9a: {  	s4 =	simm.s32 $_size__tile_overlayer_lowered;
	s5 =	simm.s32 $_tile_overlayer_lowered  }
0x9b: {  	s22 =	simm.s32 $0x1BFF;
	s21 =	sshll.u32 s5, $0x1;
	s2 =	sadd.s32 s19, s18  }
0x9c: {  	s6 =	simm.s32 $0x0;
	s20 =	sshll.u32 s4, $0x1;
	s4 =	sadd.s32 s21, s2  }
0x9d: {  	[timem:s6], [sflag:s22] =	dma.local [hbm:s4], s20  }
0x9e: {  	_ =	swait.ge [sflag:s22], s20  }
0x9f: {  	s3 =	ssub.s32 $0x0, s20;
	[sflag:s22] =	ssyncset.done $0x0  }
0xa0: {  	[sflag:s22] =	ssyncadd.s32 s3;
	_ =	sdelay $0x1  }
0xa1: {  	s23 =	simm.s32 $0x1B8B  }
0xa2: {  	_ =	swait.ge [sflag:s23], $0x1  }
0xa3: {  	[sflag:s23] =	ssyncset.done $0x0  }
0xa4: {  	s25 =	simm.s32 $0x1B8E;
	s24 =	sld [smem:$0x3FFE];
	[sflag:s23] =	ssyncadd.s32 $0xFFFFFFFF  }
0xa5: {  	s26 =	simm.s32 $execute0_lowered;
	[smem:$0x3FD2] =	sst s25  }
0xa6: {  	s4 =	sshll.u32 s26, $0x1;
	_ =	strace $0x80000058;
	[dreg:$0x1] =	wrdreg $0xFFFFFFFF  }
0xa7: {  	s28 =	simm.s32 $_size_execute0_lowered;
	s2 =	sadd.s32 s2, s4;
	[dreg:$0x0] =	wrdreg $0x0  }
0xa8: {  	s4 =	sshll.u32 s28, $0x1;
	[dreg:$0x2] =	wrdreg s2  }
0xa9: {  	[dreg:$0x3] =	wrdreg s4  }
0xaa: {  	[dreg:$0x4] =	wrdreg $0xC0  }
0xab: {  	_ =	task [dreg:s6], $0x5FFFF  }
0xac: {  	[dreg:$0x1] =	wrdreg $0xFFFFFFFF  }
0xad: {  	[dreg:$0x0] =	wrdreg $0x60  }
0xae: {  	[dreg:$0x2] =	wrdreg s24  }
0xaf: {  	[dreg:$0x3] =	wrdreg $0x9  }
0xb0: {  	_ =	task.clear_ibuf [dreg:s6], $0x4FFFF;
	_ =	strace $0x90000058  }
0xb1: {  	s29 =	simm.s32 $0x9;
	_ =	strace $0x8000005A  }
0xb2: {  	_ =	swait.ge [sflag:s29], $0x1  }
0xb3: {  	[sflag:s29] =	ssyncadd.s32 $0xFFFFFFFF  }
0xb4: {  	_ =	strace $0x9000005A  }
0xb5: {  	_ =	sfence  }
0xb6: {  	s30 =	sld [smem:$0x0];
	_ =	sdelay $0x2  }
0xb7: {  	s31 =	sshll.u32 s1, $0xD;
	s1 =	sshrl.u32 s1, $0x2  }
0xb8: {  	s3 =	sand.u32 $0x4000, s31;
	s1 =	sadd.s32 s1, s30  }
0xb9: {  	s0 =	sor.u32 s3, s0;
	s1 =	sshll.u32 s1, $0x11  }
0xba: {  	s0 =	sor.u32 s1, s0  }
0xbb: {  	s0 =	sadd.s32 $0x8F2B, s0  }
0xbc: {  	[sflag:s0] =	ssyncadd.remote.s32 $0x1  }
0xbd: {  	_ =	sfence.sel $0xFFFF  }
0xbe: {  	[dreg:$0x0] =	wrdreg $0xFFFFFFFF;
	(pc) =	sbr.abs _section_cstart, $3  }
0xbf: {  	[dreg:$0x1] =	wrdreg $0xFFFFFFFF  }
0xc0: {  	_ =	task.clear_ibuf [dreg:s6], $0x2FFFF;
	_ =	strace $0x9FFFFFFF  }
0xc1: {  	(tm) =	ssettm $0x7FFFFFFF  }
tec
execute0_lowered:
.L_overlay_start_1:
0x0: {  	(tag) =	ssettag $0x1  }
0x1: {  	s0 =	srdreg.scid;
	s5 =	rddreg [dreg:$0x0]  }
0x2: {  	s1 =	stileid.u32;
	s6 =	simm.s32 $0x1;
	s9 =	simm.s32 $0x1  }
0x3: {  	s10 =	simm.s32 $0x3;
	s13 =	simm.s32 $0x0;
	s2 =	sshll.u32 s0, $0x6  }
0x4: {  	s12 =	simm.s32 $0x0;
	s3 =	sshll.u32 s1, $0x7;
	s4 =	sand.u32 $0x40, s2  }
0x5: {  	s0 =	rddreg [dreg:$0x1];
	_ =	strace $0x80000059;
	s3 =	sor.u32 s3, s4  }
0x6: {  	s2 =	sadd.s32 $0x4C5A00, s5;
	[sflag:s6] =	ssyncpa.u1 $0x0;
	s8 =	ssub.s32 $0x1580, s3  }
.Ltmp0:
0x7: {  	s4 =	sadd.s32 $0x4C4E00, s5;
	s7 =	sand.u32 $0x7C0, s8;
	(pc) =	sbr.rel .LBB2_1-.Ltmp0, $4  }
0x8: {  	s5 =	sadd.s32 $0x4C6400, s5;
	s11 =	smov.u32 s3;
	p0 =	sne.s32 s7, $0x0  }
0x9: {  	s8 =	sshrl.u32 s8, $0xB;
	s7 =	simm.s32 $0x2;
	s9 =	simm.s32 @!p0 $0x0  }
0xa: {  	[sflag:s7] =	ssyncpa.u1 $0x0;
	p0 =	por $0x0, $0x0;
	s8 =	sadd.s32 s9, s8  }
0xb: {  	vm0 =	vmmov $0xffff;
	[sflag:s10] =	ssyncpa.u1 $0x0;
	s10 =	simm.s32 $0x0;
	s9 =	sadd.s32 $0x1, s8  }
.LBB2_4:
0xc: {  	v2 =	vnsel vm1, $0x0, v2  }
0xd: {  	vm1 =	vgt.s32 v0, $0x0;
	v2 =	vmin.u32 v2, $0x1187  }
0xe: {  	v0 =	vnsel vm1, $0x0, v0  }
0xf: {  	v0 =	vmin.u32 v0, $0x1187  }
0x10: {  	[tilespmem:s15], [sflag:$0x1] =	stream.indirect_vreg.gather [hbm4b:s2+s10], $0x1, v1, vm0, $0x4038;
	[tilespmem:$0x100] =	vst v63  }
0x11: {  	(ifvalue) =	ssetifvalue $0x7FFFFFFF  }
0x12: {  	[tilespmem:s16], [sflag:$0x1] =	stream.indirect_vreg.gather [hbm4b:s2+s10], $0x1, v2, vm0, $0x4038;
	[tilespmem:$0x100] =	vst v63  }
0x13: {  	s29 =	sadd.s32 $0x10, s16;
	(ifvalue) =	ssetifvalue $0x7FFFFFFF  }
0x14: {  	[tilespmem:s29], [sflag:$0x1] =	stream.indirect_vreg.gather [hbm4b:s2+s10], $0x1, v0, vm0, $0x4038;
	[tilespmem:$0x100] =	vst v63  }
0x15: {  	_ =	swait.ge [sflag:s6], $0x40  }
0x16: {  	s30 =	sshrl.u32 s13, $0x3;
	[sflag:s6] =	ssyncset.done $0x0  }
0x17: {  	s31 =	sand.u32 $0x7, s13;
	s15 =	sadd.s32 s5, s30;
	[sflag:s6] =	ssyncadd.s32 $0xFFFFFFC0  }
0x18: {  	[hbm4b:s15+s31] =	stream.linear.scatter [tilespmem:s14], [sflag:$0x3], $0x40, $0x38;
	[tilespmem:$0x100] =	vst v63  }
.LBB2_5:
0x19: {  	s15 =	sadd.s32 $0x800, s11  }
0x1a: {  	p2 =	sgt.s32 s15, $0x157F  }
0x1b: {  	s15 =	smov.u32 @p2 s3;
	p2 =	sne.s32 s12, s9  }
.Ltmp1:
0x1c: {  	p1 =	slt.u32 s12, $0x2;
	(pc) =	sbr.rel @!p2 .LBB2_6-.Ltmp1, $4  }
0x1d: {  	s14 =	simm.s32 @!p1 $0x3  }
0x1e: {  	s16 =	sadd.s32 $0x1, s12;
	_ =	swait.ge @!p1 [sflag:s14], $0x40  }
0x1f: {  	s13 =	smov.u32 s11;
	p0 =	por !p0, !p0;
	[sflag:s14] =	ssyncset.done @!p1 $0x0  }
0x20: {  	s12 =	smov.u32 s16;
	s11 =	smov.u32 s15;
	[sflag:s14] =	ssyncadd.s32 @!p1 $0xFFFFFFC0  }
.LBB2_1:
0x21: {  	p1 =	sge.u32 s12, s8  }
0x22: {  	s14 =	sxor.u32 @!p1 $0xFFFFFFFF, s12  }
0x23: {  	s31 =	sadd.s32 $0xFFFFFFFF, s12;
	s15 =	sshrl.u32 @!p1 s11, $0x3;
	s14 =	sshll.u32 @!p1 s14, $0x6  }
0x24: {  	s16 =	sand.u32 @!p1 $0x7, s11;
	s15 =	sadd.s32 @!p1 s4, s15;
	s14 =	sand.u32 @!p1 $0x40, s14  }
0x25: {  	[tilespmem:s14], [sflag:$0x2] =	stream.linear.gather @!p1 [hbm4b:s15+s16], $0x40, $0x38;
	[tilespmem:$0x100] =	vst v63  }
0x26: {  	p1 =	sge.u32 s31, s8  }
.Ltmp2:
0x27: {  	_ = 	snop;
	(pc) =	sbr.rel @p1 .LBB2_5-.Ltmp2, $1  }
0x28: {  	_ =	sdelay $0x3  }
0x29: {  	s14 =	simm.s32 $0x1  }
0x2a: {  	_ =	swait.ge [sflag:s7], $0x40;
	s14 =	simm.s32 @!p0 $0x0  }
0x2b: {  	[sflag:s7] =	ssyncset.done $0x0;
	s14 =	sshll.u32 s14, $0x6  }
0x2c: {  	[sflag:s7] =	ssyncadd.s32 $0xFFFFFFC0;
	(ifvalue) =	ssetifvalue $0x7FFFFFFF;
	v0 =	vld.msk [tilespmem:s14+$0x0 ss:$0x1], $0xffff;
	_ =	sdelay $0x4  }
0x2d: {  	s15 =	sadd.s32 $0x10, s14;
	vm1 =	vgt.s32 v0, $0x0  }
0x2e: {  	v2 =	vld.msk [tilespmem:s15+$0x0 ss:$0x1], $0xffff;
	v1 =	vnsel vm1, $0x0, v0  }
0x2f: {  	v1 =	vmin.u32 v1, $0x1187;
	_ =	sdelay $0x1  }
0x30: {  	s16 =	sshll.u32 s12, $0x6;
	s18 =	simm.s32 $0x20  }
0x31: {  	s16 =	sand.u32 $0x40, s16;
	s17 =	sadd.s32 $0x10, s15;
	s15 =	sor.u32 $0x80, s14  }
0x32: {  	s14 =	sor.u32 $0x80, s16;
	s16 =	sadd.s32 $0x10, s15;
	v0 =	vld.msk [tilespmem:s17+$0x0 ss:$0x1], $0xffff;
	vm1 =	vgt.s32 v2, $0x0;
	(ifvalue) =	ssetifvalue $0x7FFFFFFF  }
.LBB2_3:
0x33: {  	[tilespmem:s15], [sflag:$0x1] =	stream.indirect_vreg.gather [hbm4b:s2+s10], $0x1, v1, vm0, $0x4038;
	[tilespmem:$0x100] =	vst v63  }
0x34: {  	s18 =	sadd.s32 $0x10, s18  }
0x35: {  	v2 =	vnsel vm1, $0x0, v2;
	p1 =	slt.u32 s18, $0x30  }
.Ltmp3:
0x36: {  	s15 =	smov.u32 s16;
	v1 =	vmin.u32 v2, $0x1187;
	(pc) =	sbr.rel @p1 .LBB2_3-.Ltmp3, $3  }
0x37: {  	_ =	sdelay $0x1  }
0x38: {  	s17 =	sadd.s32 $0x10, s17  }
0x39: {  	vm1 =	vgt.s32 v0, $0x0;
	s16 =	sadd.s32 $0x10, s16;
	v2 =	vmov v0;
	(ifvalue) =	ssetifvalue $0x7FFFFFFF;
	v0 =	vld.msk [tilespmem:s17+$0x0 ss:$0x1], $0xffff  }
.Ltmp4:
0x3a: {  	_ = 	snop;
	(pc) =	sbr.rel .LBB2_4-.Ltmp4, $1  }
0x3b: {  	_ =	sdelay $0x3  }
.LBB2_6:
0x3c: {  	_ =	sfence.sel $0x180000  }
0x3d: {  	s2 =	simm.s32 $0x2;
	[bflag:$0x0] =	sbarrier.arrive $0xFFFF  }
0x3e: {  	s30 =	simm.s32 $0x3;
	[sflag:s2] =	ssyncpa.u1 $0x1  }
0x3f: {  	s31 =	simm.s32 $0x1;
	[sflag:s30] =	ssyncpa.u1 $0x1  }
0x40: {  	[sflag:s31] =	ssyncpa.u1 $0x1  }
0x41: {  	p0 =	sne.s32 s1, $0x0;
	_ =	strace $0x90000059  }
0x42: {  	s0 =	sadd.s32 @!p0 $0x100000, s0;
	[bflag:$0x2] =	sbarrier.arrive $0xFFFF  }
0x43: {  	[sflag:s0] =	ssyncadd.tile.s32 @!p0 $0x1;
	_ =	shalt  }
.Lfunc_end2:
_tile_overlayer_lowered:
.L_overlay_start_2:
0x44: {  	(tag) =	ssettag $0x2  }
0x45: {  	s0 =	rddreg [dreg:$0x0];
	s2 =	stileid.u32  }
0x46: {  	s1 =	rddreg [dreg:$0x1];
	p0 =	sne.s32 s2, $0x0  }
0x47: {  	s3 =	rddreg [dreg:$0x2];
	[bflag:$0x3] =	sbarrier.arrive $0xFFFF;
	s2 =	simm.s32 @!p0 $0x1C01  }
0x48: {  	[timem:s3], [sflag:s2] =	dma.local @!p0 [hbm:s0], s1  }
0x49: {  	s0 =	simm.s32 @!p0 $0x1  }
0x4a: {  	_ =	swait.ge @!p0 [sflag:s0], s1  }
0x4b: {  	s1 =	ssub.s32 @!p0 $0x0, s1;
	[sflag:s0] =	ssyncset.done @!p0 $0x0  }
0x4c: {  	[sflag:s0] =	ssyncadd.s32 @!p0 s1  }
0x4d: {  	[bflag:$0x3] =	sbarrier.arrive $0xFFFF  }
0x4e: {  	_ =	shalt  }

// kernel: gather_offload_async_start.6
scs
__scs_entry_jumppad:
0x0: {  	(pc) =	sbr.rel $0x88, $3  }
0x1: {  	(tag) =	ssettag $0x0;
	lr =	simm.s32 $0x1  }
0x2: {  	[smem:$0x3F7C] =	sst lr;
	_ =	strace $0xD0000000  }
0x3: {  	_ = 	snop  }
0x4: {  	_ = 	snop  }
0x5: {  	_ = 	snop  }
0x6: {  	_ = 	snop  }
0x7: {  	_ = 	snop  }
__scs_overlays_trampoline_lowered:
0x8: {  	[smem:$0x3F8B] =	sst s0  }
0x9: {  	[smem:$0x3F8C] =	sst s1  }
0xa: {  	[smem:$0x3F8D] =	sst s2  }
0xb: {  	[smem:$0x3F8E] =	sst s3  }
0xc: {  	[smem:$0x3F8F] =	sst s4  }
0xd: {  	[smem:$0x3F90] =	sst s5  }
0xe: {  	[smem:$0x3F91] =	sst s6  }
0xf: {  	[smem:$0x3F92] =	sst s7  }
0x10: {  	[smem:$0x3F93] =	sst s8  }
0x11: {  	[smem:$0x3F94] =	sst s9;
	s0 =	simm.s32 @!p0 $0x0  }
0x12: {  	s1 =	sld [smem:$0x3F7A];
	s0 =	simm.s32 @p0 $0x1  }
0x13: {  	[smem:$0x3F95] =	sst s0;
	s0 =	simm.s32 @!p1 $0x0  }
0x14: {  	s2 =	sld [smem:$0x3F79];
	s0 =	simm.s32 @p1 $0x1  }
0x15: {  	[smem:$0x3F96] =	sst s0;
	s0 =	simm.s32 @!p2 $0x0  }
0x16: {  	s3 =	sld [smem:$0x3FDB];
	s0 =	simm.s32 @p2 $0x1  }
0x17: {  	s4 =	simm.s32 $0x1BF5;
	[smem:$0x3F98] =	sst s0  }
0x18: {  	s0 =	sld [smem:$0x3F7B];
	_ =	swait.ge [sflag:s4], $0x0  }
0x19: {  	s7 =	sld [smem:$0x3F7C]  }
0x1a: {  	s8 =	sadd.s32 $0xFFFFE003, lr  }
0x1b: {  	s9 =	sadd.s32 $0xFFFFFEF7, lr;
	s5 =	simm.s32 $0xFFFFFFFF;
	p2 =	slt.u32 s8, $0xFFFFF086  }
0x1c: {  	p1 =	slt.u32 s9, $0xF7A;
	s5 =	simm.s32 @!p2 $0x0  }
0x1d: {  	s5 =	simm.s32 @p1 $0x1;
	p0 =	seq.s32 s7, s2  }
0x1e: {  	s7 =	smul.u32 @!p0 $0xF7A, s2;
	p2 =	seq.s32 @!p0 s5, $0x0  }
0x1f: {  	s9 =	smul.u32 $0xF7A, s1;
	s8 =	simm.s32 @!p0 $0x1BF5;
	p2 =	por !p2, p0  }
0x20: {  	[sflag:s8] =	ssyncset.s32 @!p0 $0xFFFFF086;
	s6 =	sadd.s32 @!p0 s3, s7;
	s7 =	simm.s32 @!p0 $0x108  }
0x21: {  	s3 =	sadd.s32 s3, s9;
	s6 =	sadd.s32 @!p0 $0x88, s6;
	s7 =	simm.s32 @p2 $0x1082  }
0x22: {  	[simem:s7], [sflag:s8] =	dma.local @!p0 [hbm:s6], $0xF7A  }
0x23: {  	s9 =	sor.u32 $0xD0000000, s2;
	s6 =	simm.s32 $0x108;
	_ =	swait.ge @!p0 [sflag:s8], $0x0  }
0x24: {  	s3 =	sadd.s32 $0x88, s3;
	s6 =	simm.s32 @!p1 $0x1082;
	[sflag:s4] =	ssyncset.s32 $0xFFFFF086  }
0x25: {  	[simem:s6], [sflag:s4] =	dma.local [hbm:s3], $0xF7A  }
0x26: {  	[smem:$0x3F7C] =	sst s1;
	(tag) =	ssettag s2;
	_ =	strace s9  }
0x27: {  	s1 =	sld [smem:$0x3F8C]  }
0x28: {  	s2 =	sld [smem:$0x3F8D]  }
0x29: {  	s4 =	sld [smem:$0x3F8F]  }
0x2a: {  	p0 =	seq.s32 s5, $0x0;
	s5 =	sld [smem:$0x3F90]  }
0x2b: {  	s6 =	sld [smem:$0x3F91]  }
0x2c: {  	s7 =	sld [smem:$0x3F92]  }
0x2d: {  	s3 =	simm.s32 $0x108;
	s8 =	sld [smem:$0x3F93]  }
0x2e: {  	s3 =	simm.s32 @!p0 $0x1082;
	s9 =	sld [smem:$0x3F94]  }
0x2f: {  	lr =	sadd.s32 s0, s3;
	s0 =	sld [smem:$0x3F8B]  }
0x30: {  	s3 =	sld [smem:$0x3F8E]  }
0x31: {  	[smem:$0x3F97] =	sst s10  }
0x32: {  	s10 =	sld [smem:$0x3F95];
	_ =	sdelay $0x3  }
0x33: {  	p0 =	seq.s32 s10, $0x1;
	s10 =	sld [smem:$0x3F97];
	_ =	sdelay $0x3  }
0x34: {  	[smem:$0x3F97] =	sst s10  }
0x35: {  	s10 =	sld [smem:$0x3F96];
	_ =	sdelay $0x3  }
0x36: {  	p1 =	seq.s32 s10, $0x1;
	s10 =	sld [smem:$0x3F97];
	_ =	sdelay $0x3  }
0x37: {  	[smem:$0x3F97] =	sst s10  }
0x38: {  	s10 =	sld [smem:$0x3F98]  }
0x39: {  	_ = 	snop;
	(pc) =	sbr.ind lr, $3  }
0x3a: {  	_ = 	snop  }
0x3b: {  	_ = 	snop  }
0x3c: {  	p2 =	seq.s32 s10, $0x1;
	s10 =	sld [smem:$0x3F97]  }
0x3d: {  	_ =	shalt  }
0x3e: {  	_ =	shalt  }
0x3f: {  	_ =	shalt  }
0x40: {  	_ =	shalt  }
0x41: {  	_ =	shalt  }
0x42: {  	_ =	shalt  }
0x43: {  	_ =	shalt  }
0x44: {  	_ =	shalt  }
0x45: {  	_ =	shalt  }
0x46: {  	_ =	shalt  }
0x47: {  	_ =	shalt  }
0x48: {  	_ =	shalt  }
0x49: {  	_ =	shalt  }
0x4a: {  	_ =	shalt  }
0x4b: {  	_ =	shalt  }
0x4c: {  	_ =	shalt  }
0x4d: {  	_ =	shalt  }
0x4e: {  	_ =	shalt  }
0x4f: {  	_ =	shalt  }
0x50: {  	_ =	shalt  }
0x51: {  	_ =	shalt  }
0x52: {  	_ =	shalt  }
0x53: {  	_ =	shalt  }
0x54: {  	_ =	shalt  }
0x55: {  	_ =	shalt  }
0x56: {  	_ =	shalt  }
0x57: {  	_ =	shalt  }
0x58: {  	_ =	shalt  }
0x59: {  	_ =	shalt  }
0x5a: {  	_ =	shalt  }
0x5b: {  	_ =	shalt  }
0x5c: {  	_ =	shalt  }
0x5d: {  	_ =	shalt  }
0x5e: {  	_ =	shalt  }
0x5f: {  	_ =	shalt  }
0x60: {  	_ =	shalt  }
0x61: {  	_ =	shalt  }
0x62: {  	_ =	shalt  }
0x63: {  	_ =	shalt  }
0x64: {  	_ =	shalt  }
0x65: {  	_ =	shalt  }
0x66: {  	_ =	shalt  }
0x67: {  	_ =	shalt  }
0x68: {  	_ =	shalt  }
0x69: {  	_ =	shalt  }
0x6a: {  	_ =	shalt  }
0x6b: {  	_ =	shalt  }
0x6c: {  	_ =	shalt  }
0x6d: {  	_ =	shalt  }
0x6e: {  	_ =	shalt  }
0x6f: {  	_ =	shalt  }
0x70: {  	_ =	shalt  }
0x71: {  	_ =	shalt  }
0x72: {  	_ =	shalt  }
0x73: {  	_ =	shalt  }
0x74: {  	_ =	shalt  }
0x75: {  	_ =	shalt  }
0x76: {  	_ =	shalt  }
0x77: {  	_ =	shalt  }
0x78: {  	_ =	shalt  }
0x79: {  	_ =	shalt  }
0x7a: {  	_ =	shalt  }
0x7b: {  	_ =	shalt  }
0x7c: {  	_ =	shalt  }
0x7d: {  	_ =	shalt  }
0x7e: {  	_ =	shalt  }
0x7f: {  	_ =	shalt  }
0x80: {  	_ =	shalt  }
0x81: {  	_ =	shalt  }
0x82: {  	_ =	shalt  }
0x83: {  	_ =	shalt  }
0x84: {  	_ =	shalt  }
0x85: {  	_ =	shalt  }
0x86: {  	_ =	shalt  }
0x87: {  	_ =	shalt  }
.Lfunc_end0:
.L_simem_size_0:
called_computation.6_lowered:
.L_overlay_start_0:
0x88: {  	s2 =	sld [smem:$0x3FD9]  }
0x89: {  	s3 =	sld [smem:$0x3FFE];
	_ =	sdelay $0x1  }
0x8a: {  	s1 =	srdreg.scid  }
0x8b: {  	s0 =	sand.u32 $0x1, s1  }
0x8c: {  	s17 =	sshll.u32 s0, $0xA;
	s2 =	sadd.s32 s3, s2  }
0x8d: {  	s2 =	sadd.s32 s2, s17  }
0x8e: {  	[smem:$0x3FA3] =	sst s2  }
0x8f: {  	_ = 	snop  }
0x90: {  	s2 =	sld [smem:$0x3FC7]  }
0x91: {  	s18 =	sld [smem:$0x3FD0];
	(tm) =	ssettm $0x1  }
0x92: {  	s4 =	sld [smem:$0x3FFB];
	_ =	sdelay $0x3  }
0x93: {  	_ =	strace s4  }
0x94: {  	s4 =	sld [smem:$0x3FFC];
	_ =	sdelay $0x3  }
0x95: {  	_ =	strace s4  }
0x96: {  	s4 =	sld [smem:$0x3FFD];
	_ =	sdelay $0x3  }
0x97: {  	_ =	strace s4  }
0x98: {  	_ =	strace $0x8FFFFFFF  }
0x99: {  	s19 =	sld [smem:$0x3FDB];
	_ =	sdelay $0x1  }
0x9a: {  	s5 =	simm.s32 $_scs_section_size  }
0x9b: {  	s6 =	simm.s32 $_size__tile_overlayer_lowered;
	s7 =	simm.s32 $_tile_overlayer_lowered  }
0x9c: {  	s22 =	simm.s32 $0x1BFF;
	s21 =	sshll.u32 s7, $0x1;
	s4 =	sadd.s32 s5, s19  }
0x9d: {  	s8 =	simm.s32 $0x0;
	s20 =	sshll.u32 s6, $0x1;
	s6 =	sadd.s32 s21, s4  }
0x9e: {  	[timem:s8], [sflag:s22] =	dma.local [hbm:s6], s20  }
0x9f: {  	_ =	swait.ge [sflag:s22], s20  }
0xa0: {  	s5 =	ssub.s32 $0x0, s20;
	[sflag:s22] =	ssyncset.done $0x0  }
0xa1: {  	[sflag:s22] =	ssyncadd.s32 s5;
	_ =	sdelay $0x1  }
0xa2: {  	s23 =	simm.s32 $0x1B8B  }
0xa3: {  	_ =	swait.ge [sflag:s23], $0x1  }
0xa4: {  	[sflag:s23] =	ssyncset.done $0x0  }
0xa5: {  	s25 =	simm.s32 $0x1B8E;
	s24 =	sld [smem:$0x3FFE];
	[sflag:s23] =	ssyncadd.s32 $0xFFFFFFFF  }
0xa6: {  	s26 =	simm.s32 $execute0_lowered;
	[smem:$0x3FD2] =	sst s25  }
0xa7: {  	s6 =	sshll.u32 s26, $0x1;
	_ =	strace $0x80000046;
	[dreg:$0x1] =	wrdreg $0xFFFFFFFF  }
0xa8: {  	s28 =	simm.s32 $_size_execute0_lowered;
	s4 =	sadd.s32 s4, s6;
	[dreg:$0x0] =	wrdreg $0x0  }
0xa9: {  	s6 =	sshll.u32 s28, $0x1;
	[dreg:$0x2] =	wrdreg s4  }
0xaa: {  	[dreg:$0x3] =	wrdreg s6  }
0xab: {  	[dreg:$0x4] =	wrdreg $0xC0  }
0xac: {  	_ =	task [dreg:s8], $0x5FFFF  }
0xad: {  	[dreg:$0x1] =	wrdreg $0xFFFFFFFF  }
0xae: {  	[dreg:$0x0] =	wrdreg $0x60  }
0xaf: {  	[dreg:$0x2] =	wrdreg s2  }
0xb0: {  	[dreg:$0x3] =	wrdreg s18  }
0xb1: {  	[dreg:$0x4] =	wrdreg s24  }
0xb2: {  	[dreg:$0x5] =	wrdreg $0x9  }
0xb3: {  	_ =	task.clear_ibuf [dreg:s8], $0x6FFFF;
	_ =	strace $0x90000046  }
0xb4: {  	s29 =	simm.s32 $0x9;
	_ =	strace $0x80000048  }
0xb5: {  	_ =	swait.ge [sflag:s29], $0x1  }
0xb6: {  	[sflag:s29] =	ssyncadd.s32 $0xFFFFFFFF  }
0xb7: {  	_ =	strace $0x90000048  }
0xb8: {  	_ =	sfence  }
0xb9: {  	s30 =	sld [smem:$0x0];
	_ =	sdelay $0x2  }
0xba: {  	s31 =	sshll.u32 s1, $0xD;
	s1 =	sshrl.u32 s1, $0x2  }
0xbb: {  	s3 =	sand.u32 $0x4000, s31;
	s1 =	sadd.s32 s1, s30  }
0xbc: {  	s0 =	sor.u32 s3, s0;
	s1 =	sshll.u32 s1, $0x11  }
0xbd: {  	s0 =	sor.u32 s1, s0  }
0xbe: {  	s0 =	sadd.s32 $0x8F2B, s0  }
0xbf: {  	[sflag:s0] =	ssyncadd.remote.s32 $0x1  }
0xc0: {  	_ =	sfence.sel $0xFFFF  }
0xc1: {  	[dreg:$0x0] =	wrdreg $0xFFFFFFFF;
	(pc) =	sbr.abs _section_cstart, $3  }
0xc2: {  	[dreg:$0x1] =	wrdreg $0xFFFFFFFF  }
0xc3: {  	_ =	task.clear_ibuf [dreg:s8], $0x2FFFF;
	_ =	strace $0x9FFFFFFF  }
0xc4: {  	(tm) =	ssettm $0x7FFFFFFF  }
0xc5: {  	_ =	shalt  }
tec
execute0_lowered:
.L_overlay_start_1:
0x0: {  	(tag) =	ssettag $0x1  }
0x1: {  	s2 =	rddreg [dreg:$0x0]  }
0x2: {  	s3 =	rddreg [dreg:$0x1]  }
0x3: {  	s7 =	rddreg [dreg:$0x2]  }
0x4: {  	s0 =	rddreg [dreg:$0x3];
	s1 =	srdreg.scid;
	_ =	strace $0x80000047  }
0x5: {  	s4 =	simm.s32 $0x1;
	s9 =	simm.s32 $0x3;
	s5 =	sshll.u32 s1, $0x4  }
.Ltmp0:
0x6: {  	s1 =	stileid.u32;
	s5 =	sand.u32 $0x10, s5;
	(pc) =	sbr.rel .LBB2_1-.Ltmp0, $4  }
0x7: {  	s12 =	simm.s32 $0x0;
	s10 =	simm.s32 $0x0;
	s6 =	sor.u32 s1, s5  }
0x8: {  	[sflag:s4] =	ssyncpa.u1 $0x0;
	s5 =	simm.s32 $0x2;
	s6 =	sshll.u32 s6, $0x6  }
0x9: {  	s7 =	sadd.s32 $0x4E5200, s7;
	[sflag:s5] =	ssyncpa.u1 $0x0;
	s8 =	sadd.s32 $0x40, s6  }
0xa: {  	vm0 =	vmmov $0xff;
	vm1 =	vcmask $0x3F20;
	[sflag:s9] =	ssyncpa.u1 $0x0;
	s9 =	simm.s32 $0x40;
	s11 =	smov.u32 s6  }
.LBB2_11:
0xb: {  	p0 =	seq.s32 s10, $0x2  }
.Ltmp1:
0xc: {  	_ = 	snop;
	(pc) =	sbr.rel @p0 .LBB2_13-.Ltmp1, $1  }
0xd: {  	_ =	sdelay $0x3  }
.LBB2_12:
0xe: {  	s12 =	sadd.s32 $0x40, s11  }
0xf: {  	s13 =	smov.u32 s6;
	p0 =	slt.s32 s12, s8  }
0x10: {  	s13 =	smov.u32 @p0 s12  }
0x11: {  	s10 =	sadd.s32 $0x1, s10;
	s12 =	smov.u32 s11;
	s11 =	smov.u32 s13  }
.LBB2_1:
0x12: {  	p0 =	sne.s32 s10, $0x0  }
.Ltmp2:
0x13: {  	_ = 	snop;
	(pc) =	sbr.rel @!p0 .LBB2_2-.Ltmp2, $1  }
0x14: {  	_ =	sdelay $0x3  }
0x15: {  	s13 =	sand.u32 $0x1, s10  }
0x16: {  	p0 =	seq.s32 s13, $0x0  }
.Ltmp3:
0x17: {  	_ = 	snop;
	(pc) =	sbr.rel @p0 .LBB2_11-.Ltmp3, $1  }
0x18: {  	_ =	sdelay $0x3  }
0x19: {  	_ =	swait.ge [sflag:s5], $0x40  }
0x1a: {  	[sflag:s5] =	ssyncset.done $0x0  }
0x1b: {  	s13 =	simm.s32 $0x0;
	s14 =	simm.s32 $0x80;
	[sflag:s5] =	ssyncadd.s32 $0xFFFFFFC0  }
.LBB2_5:
0x1c: {  	s15 =	sshll.u32 s13, $0x4  }
0x1d: {  	s15 =	sand.u32 $0x3FFFFFF0, s15  }
0x1e: {  	v0 =	vld.msk [tilespmem:s15+$0x40 ss:$0x1], $0xffff;
	_ =	sdelay $0x4  }
0x1f: {  	vm2 =	vgt.s32 v0, $0x0  }
0x20: {  	v0 =	vnsel vm2, $0x0, v0  }
0x21: {  	v0 =	vmin.u32 v0, $0x4E1F  }
0x22: {  	v1 =	vshrl.u32 v0, $0x3  }
0x23: {  	v0 =	vshll.u32 v0, $0x7;
	v1 =	vmul.u32 $0x1800, v1  }
0x24: {  	v0 =	vand.u32 $0x380, v0  }
0x25: {  	v0 =	vor.u32 v0, v1  }
0x26: {  	v0 =	vshrl.u32 v0, $0x3;
	_ =	sdelay $0x2  }
0x27: {  	s16 =	sadd.s32 $0xFFFFE800, s14  }
0x28: {  	s31 =	sadd.s32 $0xD800, s16;
	s16 =	sadd.s32 $0xF000, s16;
	s15 =	simm.s32 $0xFFFFB000  }
0x29: {  	v1 =	vadd.s32 $0x80, v0;
	[tilespmem:s31], [sflag:$0x1] =	stream.indirect_vreg.gather [hbm:s2], $0x80, v0, vm0, $0x38;
	[tilespmem:$0x18080] =	vst v63  }
.LBB2_6:
0x2a: {  	[tilespmem:s16], [sflag:$0x1] =	stream.indirect_vreg.gather [hbm:s2], $0x80, v0, vm1, $0x38;
	[tilespmem:$0x18080] =	vst v63  }
0x2b: {  	v0 =	vmov v1;
	p0 =	sne.s32 s15, $0xFFFFF000  }
.Ltmp4:
0x2c: {  	s16 =	sshra.s32 s15, $0x2;
	(pc) =	sbr.rel @p0 .LBB2_6-.Ltmp4, $4  }
0x2d: {  	s15 =	sadd.s32 $0x1000, s15;
	s16 =	sadd.s32 s16, s14  }
0x2e: {  	s17 =	sadd.s32 $0xD800, s16  }
0x2f: {  	[tilespmem:s17], [sflag:$0x1] =	stream.indirect_vreg.gather [hbm:s2], $0x80, v1, vm0, $0x38;
	[tilespmem:$0x18080] =	vst v63  }
0x30: {  	s16 =	sadd.s32 $0xF000, s16;
	v1 =	vadd.s32 $0x80, v1  }
0x31: {  	s13 =	sadd.s32 $0x1, s13  }
0x32: {  	p0 =	sne.s32 s13, $0x4  }
.Ltmp5:
0x33: {  	_ = 	snop;
	(pc) =	sbr.rel @p0 .LBB2_5-.Ltmp5, $3  }
0x34: {  	_ =	sdelay $0x1  }
0x35: {  	[tilespmem:s16], [sflag:$0x1] =	stream.indirect_vreg.gather [hbm:s2], $0x80, v0, vm1, $0x38;
	[tilespmem:$0x18080] =	vst v63  }
0x36: {  	s14 =	sadd.s32 $0x3000, s14  }
0x37: {  	s13 =	sshrl.u32 s12, $0x3  }
0x38: {  	s13 =	smul.u32 $0x300, s13  }
0x39: {  	_ =	swait.ge [sflag:s4], $0xC000;
	s31 =	sshll.u32 s12, $0x4  }
0x3a: {  	s14 =	simm.s32 $0x300;
	s12 =	sand.u32 $0x70, s31;
	s13 =	sadd.s32 s13, s7  }
0x3b: {  	s15 =	simm.s32 $0xD880;
	[sflag:s4] =	ssyncset.done $0x0;
	s12 =	sadd.s32 s12, s13  }
0x3c: {  	[sflag:s4] =	ssyncadd.s32 $0xFFFF4000;
	s13 =	simm.s32 $0xC080;
	s16 =	sadd.s32 $0x0, s12  }
.LBB2_9:
0x3d: {  	[hbm:s16] =	stream.linear.scatter [tilespmem:s13], [sflag:$0x3], $0x1800, $0x38;
	[tilespmem:$0x18080] =	vst v63  }
0x3e: {  	s16 =	smov.u32 s14;
	s13 =	smov.u32 s15;
	p0 =	sne.s32 s14, $0x1500  }
.Ltmp6:
0x3f: {  	s14 =	sadd.s32 $0x300, s14;
	(pc) =	sbr.rel @p0 .LBB2_9-.Ltmp6, $2  }
0x40: {  	_ =	sdelay $0x2  }
0x41: {  	s15 =	sadd.s32 $0x1800, s15;
	s16 =	sadd.s32 s16, s12  }
.Ltmp7:
0x42: {  	(pc) =	sbr.rel .LBB2_11-.Ltmp7, $2  }
0x43: {  	_ =	sdelay $0x2  }
0x44: {  	[hbm:s16] =	stream.linear.scatter [tilespmem:s13], [sflag:$0x3], $0x1800, $0x38;
	[tilespmem:$0x18080] =	vst v63  }
.LBB2_2:
.Ltmp8:
0x45: {  	(pc) =	sbr.rel .LBB2_12-.Ltmp8, $4  }
0x46: {  	_ = 	snop  }
0x47: {  	s12 =	sshrl.u32 s11, $0x3  }
0x48: {  	s13 =	sand.u32 $0x7, s11;
	s12 =	sadd.s32 s3, s12  }
0x49: {  	[tilespmem:s9], [sflag:$0x2] =	stream.linear.gather [hbm4b:s12+s13], $0x40, $0x38;
	[tilespmem:$0x18080] =	vst v63  }
.LBB2_13:
0x4a: {  	s2 =	simm.s32 $0x3  }
0x4b: {  	_ =	swait.ge [sflag:s2], $0xC000  }
0x4c: {  	[sflag:s2] =	ssyncset.done $0x0  }
0x4d: {  	[sflag:s2] =	ssyncadd.s32 $0xFFFF4000  }
0x4e: {  	_ =	sfence.sel $0x180000  }
0x4f: {  	s3 =	simm.s32 $0x2;
	[bflag:$0x0] =	sbarrier.arrive $0xFFFF  }
0x50: {  	[sflag:s3] =	ssyncpa.u1 $0x1  }
0x51: {  	s31 =	simm.s32 $0x1;
	[sflag:s2] =	ssyncpa.u1 $0x1  }
0x52: {  	[sflag:s31] =	ssyncpa.u1 $0x1  }
0x53: {  	p0 =	sne.s32 s1, $0x0;
	_ =	strace $0x90000047  }
0x54: {  	s0 =	sadd.s32 @!p0 $0x100000, s0;
	[bflag:$0x2] =	sbarrier.arrive $0xFFFF  }
0x55: {  	[sflag:s0] =	ssyncadd.tile.s32 @!p0 $0x1;
	_ =	shalt  }
.Lfunc_end2:
_tile_overlayer_lowered:
.L_overlay_start_2:
0x56: {  	(tag) =	ssettag $0x2  }
0x57: {  	s0 =	rddreg [dreg:$0x0];
	s2 =	stileid.u32  }
0x58: {  	s1 =	rddreg [dreg:$0x1];
	p0 =	sne.s32 s2, $0x0  }
0x59: {  	s3 =	rddreg [dreg:$0x2];
	[bflag:$0x3] =	sbarrier.arrive $0xFFFF;
	s2 =	simm.s32 @!p0 $0x1C01  }
0x5a: {  	[timem:s3], [sflag:s2] =	dma.local @!p0 [hbm:s0], s1  }
0x5b: {  	s0 =	simm.s32 @!p0 $0x1  }
0x5c: {  	_ =	swait.ge @!p0 [sflag:s0], s1  }
0x5d: {  	s1 =	ssub.s32 @!p0 $0x0, s1;
	[sflag:s0] =	ssyncset.done @!p0 $0x0  }
0x5e: {  	[sflag:s0] =	ssyncadd.s32 @!p0 s1  }
0x5f: {  	[bflag:$0x3] =	sbarrier.arrive $0xFFFF  }
0x60: {  	_ =	shalt  }

// kernel: gather_offload_async_start
scs
__scs_entry_jumppad:
0x0: {  	(pc) =	sbr.rel $0x88, $3  }
0x1: {  	(tag) =	ssettag $0x0;
	lr =	simm.s32 $0x1  }
0x2: {  	[smem:$0x3F7C] =	sst lr;
	_ =	strace $0xD0000000  }
0x3: {  	_ = 	snop  }
0x4: {  	_ = 	snop  }
0x5: {  	_ = 	snop  }
0x6: {  	_ = 	snop  }
0x7: {  	_ = 	snop  }
__scs_overlays_trampoline_lowered:
0x8: {  	[smem:$0x3F8B] =	sst s0  }
0x9: {  	[smem:$0x3F8C] =	sst s1  }
0xa: {  	[smem:$0x3F8D] =	sst s2  }
0xb: {  	[smem:$0x3F8E] =	sst s3  }
0xc: {  	[smem:$0x3F8F] =	sst s4  }
0xd: {  	[smem:$0x3F90] =	sst s5  }
0xe: {  	[smem:$0x3F91] =	sst s6  }
0xf: {  	[smem:$0x3F92] =	sst s7  }
0x10: {  	[smem:$0x3F93] =	sst s8  }
0x11: {  	[smem:$0x3F94] =	sst s9;
	s0 =	simm.s32 @!p0 $0x0  }
0x12: {  	s1 =	sld [smem:$0x3F7A];
	s0 =	simm.s32 @p0 $0x1  }
0x13: {  	[smem:$0x3F95] =	sst s0;
	s0 =	simm.s32 @!p1 $0x0  }
0x14: {  	s2 =	sld [smem:$0x3F79];
	s0 =	simm.s32 @p1 $0x1  }
0x15: {  	[smem:$0x3F96] =	sst s0;
	s0 =	simm.s32 @!p2 $0x0  }
0x16: {  	s3 =	sld [smem:$0x3FDB];
	s0 =	simm.s32 @p2 $0x1  }
0x17: {  	s4 =	simm.s32 $0x1BF5;
	[smem:$0x3F98] =	sst s0  }
0x18: {  	s0 =	sld [smem:$0x3F7B];
	_ =	swait.ge [sflag:s4], $0x0  }
0x19: {  	s7 =	sld [smem:$0x3F7C]  }
0x1a: {  	s8 =	sadd.s32 $0xFFFFE003, lr  }
0x1b: {  	s9 =	sadd.s32 $0xFFFFFEF7, lr;
	s5 =	simm.s32 $0xFFFFFFFF;
	p2 =	slt.u32 s8, $0xFFFFF086  }
0x1c: {  	p1 =	slt.u32 s9, $0xF7A;
	s5 =	simm.s32 @!p2 $0x0  }
0x1d: {  	s5 =	simm.s32 @p1 $0x1;
	p0 =	seq.s32 s7, s2  }
0x1e: {  	s7 =	smul.u32 @!p0 $0xF7A, s2;
	p2 =	seq.s32 @!p0 s5, $0x0  }
0x1f: {  	s9 =	smul.u32 $0xF7A, s1;
	s8 =	simm.s32 @!p0 $0x1BF5;
	p2 =	por !p2, p0  }
0x20: {  	[sflag:s8] =	ssyncset.s32 @!p0 $0xFFFFF086;
	s6 =	sadd.s32 @!p0 s3, s7;
	s7 =	simm.s32 @!p0 $0x108  }
0x21: {  	s3 =	sadd.s32 s3, s9;
	s6 =	sadd.s32 @!p0 $0x88, s6;
	s7 =	simm.s32 @p2 $0x1082  }
0x22: {  	[simem:s7], [sflag:s8] =	dma.local @!p0 [hbm:s6], $0xF7A  }
0x23: {  	s9 =	sor.u32 $0xD0000000, s2;
	s6 =	simm.s32 $0x108;
	_ =	swait.ge @!p0 [sflag:s8], $0x0  }
0x24: {  	s3 =	sadd.s32 $0x88, s3;
	s6 =	simm.s32 @!p1 $0x1082;
	[sflag:s4] =	ssyncset.s32 $0xFFFFF086  }
0x25: {  	[simem:s6], [sflag:s4] =	dma.local [hbm:s3], $0xF7A  }
0x26: {  	[smem:$0x3F7C] =	sst s1;
	(tag) =	ssettag s2;
	_ =	strace s9  }
0x27: {  	s1 =	sld [smem:$0x3F8C]  }
0x28: {  	s2 =	sld [smem:$0x3F8D]  }
0x29: {  	s4 =	sld [smem:$0x3F8F]  }
0x2a: {  	p0 =	seq.s32 s5, $0x0;
	s5 =	sld [smem:$0x3F90]  }
0x2b: {  	s6 =	sld [smem:$0x3F91]  }
0x2c: {  	s7 =	sld [smem:$0x3F92]  }
0x2d: {  	s3 =	simm.s32 $0x108;
	s8 =	sld [smem:$0x3F93]  }
0x2e: {  	s3 =	simm.s32 @!p0 $0x1082;
	s9 =	sld [smem:$0x3F94]  }
0x2f: {  	lr =	sadd.s32 s0, s3;
	s0 =	sld [smem:$0x3F8B]  }
0x30: {  	s3 =	sld [smem:$0x3F8E]  }
0x31: {  	[smem:$0x3F97] =	sst s10  }
0x32: {  	s10 =	sld [smem:$0x3F95];
	_ =	sdelay $0x3  }
0x33: {  	p0 =	seq.s32 s10, $0x1;
	s10 =	sld [smem:$0x3F97];
	_ =	sdelay $0x3  }
0x34: {  	[smem:$0x3F97] =	sst s10  }
0x35: {  	s10 =	sld [smem:$0x3F96];
	_ =	sdelay $0x3  }
0x36: {  	p1 =	seq.s32 s10, $0x1;
	s10 =	sld [smem:$0x3F97];
	_ =	sdelay $0x3  }
0x37: {  	[smem:$0x3F97] =	sst s10  }
0x38: {  	s10 =	sld [smem:$0x3F98]  }
0x39: {  	_ = 	snop;
	(pc) =	sbr.ind lr, $3  }
0x3a: {  	_ = 	snop  }
0x3b: {  	_ = 	snop  }
0x3c: {  	p2 =	seq.s32 s10, $0x1;
	s10 =	sld [smem:$0x3F97]  }
0x3d: {  	_ =	shalt  }
0x3e: {  	_ =	shalt  }
0x3f: {  	_ =	shalt  }
0x40: {  	_ =	shalt  }
0x41: {  	_ =	shalt  }
0x42: {  	_ =	shalt  }
0x43: {  	_ =	shalt  }
0x44: {  	_ =	shalt  }
0x45: {  	_ =	shalt  }
0x46: {  	_ =	shalt  }
0x47: {  	_ =	shalt  }
0x48: {  	_ =	shalt  }
0x49: {  	_ =	shalt  }
0x4a: {  	_ =	shalt  }
0x4b: {  	_ =	shalt  }
0x4c: {  	_ =	shalt  }
0x4d: {  	_ =	shalt  }
0x4e: {  	_ =	shalt  }
0x4f: {  	_ =	shalt  }
0x50: {  	_ =	shalt  }
0x51: {  	_ =	shalt  }
0x52: {  	_ =	shalt  }
0x53: {  	_ =	shalt  }
0x54: {  	_ =	shalt  }
0x55: {  	_ =	shalt  }
0x56: {  	_ =	shalt  }
0x57: {  	_ =	shalt  }
0x58: {  	_ =	shalt  }
0x59: {  	_ =	shalt  }
0x5a: {  	_ =	shalt  }
0x5b: {  	_ =	shalt  }
0x5c: {  	_ =	shalt  }
0x5d: {  	_ =	shalt  }
0x5e: {  	_ =	shalt  }
0x5f: {  	_ =	shalt  }
0x60: {  	_ =	shalt  }
0x61: {  	_ =	shalt  }
0x62: {  	_ =	shalt  }
0x63: {  	_ =	shalt  }
0x64: {  	_ =	shalt  }
0x65: {  	_ =	shalt  }
0x66: {  	_ =	shalt  }
0x67: {  	_ =	shalt  }
0x68: {  	_ =	shalt  }
0x69: {  	_ =	shalt  }
0x6a: {  	_ =	shalt  }
0x6b: {  	_ =	shalt  }
0x6c: {  	_ =	shalt  }
0x6d: {  	_ =	shalt  }
0x6e: {  	_ =	shalt  }
0x6f: {  	_ =	shalt  }
0x70: {  	_ =	shalt  }
0x71: {  	_ =	shalt  }
0x72: {  	_ =	shalt  }
0x73: {  	_ =	shalt  }
0x74: {  	_ =	shalt  }
0x75: {  	_ =	shalt  }
0x76: {  	_ =	shalt  }
0x77: {  	_ =	shalt  }
0x78: {  	_ =	shalt  }
0x79: {  	_ =	shalt  }
0x7a: {  	_ =	shalt  }
0x7b: {  	_ =	shalt  }
0x7c: {  	_ =	shalt  }
0x7d: {  	_ =	shalt  }
0x7e: {  	_ =	shalt  }
0x7f: {  	_ =	shalt  }
0x80: {  	_ =	shalt  }
0x81: {  	_ =	shalt  }
0x82: {  	_ =	shalt  }
0x83: {  	_ =	shalt  }
0x84: {  	_ =	shalt  }
0x85: {  	_ =	shalt  }
0x86: {  	_ =	shalt  }
0x87: {  	_ =	shalt  }
.Lfunc_end0:
.L_simem_size_0:
called_computation_lowered:
.L_overlay_start_0:
0x88: {  	s0 =	sld [smem:$0x3FD9]  }
0x89: {  	s1 =	sld [smem:$0x3FFE];
	_ =	sdelay $0x3  }
0x8a: {  	s0 =	sadd.s32 s1, s0  }
0x8b: {  	[smem:$0x3FA3] =	sst s0  }
0x8c: {  	_ = 	snop  }
0x8d: {  	(tm) =	ssettm $0x1  }
0x8e: {  	s15 =	sld [smem:$0x3FFB];
	_ =	sdelay $0x3  }
0x8f: {  	_ =	strace s15  }
0x90: {  	s0 =	sld [smem:$0x3FFC];
	_ =	sdelay $0x3  }
0x91: {  	_ =	strace s0  }
0x92: {  	s0 =	sld [smem:$0x3FFD];
	_ =	sdelay $0x3  }
0x93: {  	_ =	strace s0  }
0x94: {  	_ =	strace $0x8FFFFFFF  }
0x95: {  	s16 =	sld [smem:$0x3FDB];
	_ =	sdelay $0x1  }
0x96: {  	s17 =	simm.s32 $_scs_section_size  }
0x97: {  	s2 =	simm.s32 $_size__tile_overlayer_lowered;
	s3 =	simm.s32 $_tile_overlayer_lowered  }
0x98: {  	s20 =	simm.s32 $0x1BFF;
	s19 =	sshll.u32 s3, $0x1;
	s0 =	sadd.s32 s17, s16  }
0x99: {  	s4 =	simm.s32 $0x0;
	s18 =	sshll.u32 s2, $0x1;
	s2 =	sadd.s32 s19, s0  }
0x9a: {  	[timem:s4], [sflag:s20] =	dma.local [hbm:s2], s18  }
0x9b: {  	_ =	swait.ge [sflag:s20], s18  }
0x9c: {  	s1 =	ssub.s32 $0x0, s18;
	[sflag:s20] =	ssyncset.done $0x0  }
0x9d: {  	[sflag:s20] =	ssyncadd.s32 s1;
	_ =	sdelay $0x1  }
0x9e: {  	s21 =	simm.s32 $0x1B8B  }
0x9f: {  	_ =	swait.ge [sflag:s21], $0x1  }
0xa0: {  	[sflag:s21] =	ssyncset.done $0x0  }
0xa1: {  	s23 =	simm.s32 $0x1B8E;
	s22 =	sld [smem:$0x3FFE];
	[sflag:s21] =	ssyncadd.s32 $0xFFFFFFFF  }
0xa2: {  	s24 =	simm.s32 $execute0_lowered;
	[smem:$0x3FD2] =	sst s23  }
0xa3: {  	s2 =	sshll.u32 s24, $0x1;
	_ =	strace $0x8000004C;
	[dreg:$0x1] =	wrdreg $0xFFFFFFFF  }
0xa4: {  	s25 =	simm.s32 $_size_execute0_lowered;
	s0 =	sadd.s32 s0, s2;
	[dreg:$0x0] =	wrdreg $0x0  }
0xa5: {  	s2 =	sshll.u32 s25, $0x1;
	[dreg:$0x2] =	wrdreg s0  }
0xa6: {  	[dreg:$0x3] =	wrdreg s2  }
0xa7: {  	[dreg:$0x4] =	wrdreg $0xC0  }
0xa8: {  	_ =	task [dreg:s4], $0x5FFFF  }
0xa9: {  	[dreg:$0x1] =	wrdreg $0xFFFFFFFF  }
0xaa: {  	[dreg:$0x0] =	wrdreg $0x60  }
0xab: {  	[dreg:$0x2] =	wrdreg s22  }
0xac: {  	[dreg:$0x3] =	wrdreg $0x9  }
0xad: {  	_ =	task.clear_ibuf [dreg:s4], $0x4FFFF;
	_ =	strace $0x9000004C  }
0xae: {  	s26 =	simm.s32 $0x9;
	_ =	strace $0x8000004E  }
0xaf: {  	_ =	swait.ge [sflag:s26], $0x1  }
0xb0: {  	[sflag:s26] =	ssyncadd.s32 $0xFFFFFFFF  }
0xb1: {  	_ =	strace $0x9000004E  }
0xb2: {  	_ =	sfence  }
0xb3: {  	s28 =	sld [smem:$0x0];
	_ =	sdelay $0x1  }
0xb4: {  	s29 =	srdreg.scid  }
0xb5: {  	s30 =	sshll.u32 s29, $0xD;
	s31 =	sshrl.u32 s29, $0x2  }
0xb6: {  	s1 =	sand.u32 $0x1, s29;
	s2 =	sand.u32 $0x4000, s30;
	s0 =	sadd.s32 s31, s28  }
0xb7: {  	s1 =	sor.u32 s2, s1;
	s0 =	sshll.u32 s0, $0x11  }
0xb8: {  	s0 =	sor.u32 s0, s1  }
0xb9: {  	s0 =	sadd.s32 $0x8F2B, s0  }
0xba: {  	[sflag:s0] =	ssyncadd.remote.s32 $0x1  }
0xbb: {  	_ =	sfence.sel $0xFFFF  }
0xbc: {  	[dreg:$0x0] =	wrdreg $0xFFFFFFFF;
	(pc) =	sbr.abs _section_cstart, $3  }
0xbd: {  	[dreg:$0x1] =	wrdreg $0xFFFFFFFF  }
0xbe: {  	_ =	task.clear_ibuf [dreg:s4], $0x2FFFF;
	_ =	strace $0x9FFFFFFF  }
0xbf: {  	(tm) =	ssettm $0x7FFFFFFF  }
tec
execute0_lowered:
.L_overlay_start_1:
0x0: {  	(tag) =	ssettag $0x1  }
0x1: {  	s5 =	rddreg [dreg:$0x0]  }
0x2: {  	s0 =	rddreg [dreg:$0x1]  }
0x3: {  	_ =	strace $0x8000004D;
	s1 =	stileid.u32;
	s6 =	simm.s32 $0x1  }
0x4: {  	s8 =	simm.s32 $0x2;
	s30 =	simm.s32 $0x3;
	s12 =	simm.s32 $0x0  }
0x5: {  	s9 =	simm.s32 $0x0;
	s10 =	simm.s32 $0x0;
	s4 =	sshll.u32 s1, $0x4  }
0x6: {  	s2 =	sadd.s32 $0x2BE00, s5;
	s3 =	sadd.s32 $0x2C600, s5;
	s7 =	ssub.s32 $0x1180, s4  }
0x7: {  	s5 =	sadd.s32 $0x2C200, s5;
	[sflag:s6] =	ssyncpa.u1 $0x0;
	s6 =	sshrl.u32 s7, $0x8  }
0x8: {  	[sflag:s8] =	ssyncpa.u1 $0x0;
	s11 =	smov.u32 s4;
	s31 =	sshll.u32 s6, $0x4  }
0x9: {  	[sflag:s30] =	ssyncpa.u1 $0x0;
	s7 =	sor.u32 $0x2, s6;
	s8 =	sadd.s32 $0x30, s31  }
.LBB2_1:
0xa: {  	p0 =	sgt.u32 s10, s6  }
0xb: {  	s13 =	sxor.u32 @!p0 $0xFFFFFFFF, s9;
	s14 =	sshrl.u32 @!p0 s11, $0x3  }
0xc: {  	s15 =	sand.u32 @!p0 $0x7, s11;
	s13 =	sand.u32 @!p0 $0x10, s13;
	s14 =	sadd.s32 @!p0 s3, s14  }
0xd: {  	[tilespmem:s13], [sflag:$0x2] =	stream.linear.gather @!p0 [hbm4b:s14+s15], $0x10, $0x38;
	[tilespmem:$0x40] =	vst v63  }
0xe: {  	p0 =	seq.s32 s9, $0x0  }
0xf: {  	p1 =	sge.u32 @!p0 s10, s7  }
0x10: {  	p0 =	por p1, p0  }
0x11: {  	s13 =	simm.s32 @!p0 $0x2  }
0x12: {  	_ =	swait.ge @!p0 [sflag:s13], $0x10  }
0x13: {  	[sflag:s13] =	ssyncset.done @!p0 $0x0  }
0x14: {  	[sflag:s13] =	ssyncadd.s32 @!p0 $0xFFFFFFF0;
	s13 =	sand.u32 @!p0 $0x10, s9  }
0x15: {  	(ifvalue) =	ssetifvalue @!p0 $0x7FFFFFFF;
	v0 =	vld.msk @!p0 [tilespmem:s13+$0x0 ss:$0x1], $0xffff;
	_ =	sdelay $0x4  }
0x16: {  	vm0 =	vgt.s32 @!p0 v0, $0x0  }
0x17: {  	v0 =	vnsel @!p0 vm0, $0x0, v0  }
0x18: {  	v0 =	vmin.u32 @!p0 v0, $0x1187;
	_ =	sdelay $0x3  }
0x19: {  	s14 =	simm.s32 @!p0 $0x0;
	s13 =	sor.u32 @!p0 $0x20, s13;
	(ifvalue) =	ssetifvalue @!p0 $0x7FFFFFFF;
	vm0 =	vmmov @!p0 $0xffff  }
0x1a: {  	[tilespmem:s13], [sflag:$0x1] =	stream.indirect_vreg.gather @!p0 [hbm4b:s2+s14], $0x1, v0, vm0, $0x4038;
	[tilespmem:$0x40] =	vst v63  }
0x1b: {  	s14 =	simm.s32 @!p0 $0x1  }
0x1c: {  	_ =	swait.ge @!p0 [sflag:s14], $0x10  }
0x1d: {  	s15 =	sshrl.u32 @!p0 s12, $0x3;
	[sflag:s14] =	ssyncset.done @!p0 $0x0  }
0x1e: {  	s12 =	sand.u32 @!p0 $0x7, s12;
	[sflag:s14] =	ssyncadd.s32 @!p0 $0xFFFFFFF0;
	s14 =	sadd.s32 @!p0 s5, s15  }
0x1f: {  	[hbm4b:s14+s12] =	stream.linear.scatter @!p0 [tilespmem:s13], [sflag:$0x3], $0x10, $0x38;
	[tilespmem:$0x40] =	vst v63  }
0x20: {  	s14 =	sadd.s32 $0x100, s11  }
0x21: {  	s9 =	sadd.s32 $0x10, s9;
	p1 =	sgt.s32 s14, $0x1187  }
0x22: {  	s14 =	smov.u32 @p1 s4;
	p1 =	sne.s32 s8, s9  }
.Ltmp0:
0x23: {  	p0 =	slt.u32 s10, $0x2;
	(pc) =	sbr.rel @p1 .LBB2_1-.Ltmp0, $4  }
0x24: {  	s13 =	simm.s32 @!p0 $0x3  }
0x25: {  	_ =	swait.ge @!p0 [sflag:s13], $0x10  }
0x26: {  	s12 =	smov.u32 s11;
	[sflag:s13] =	ssyncset.done @!p0 $0x0  }
0x27: {  	s10 =	sadd.s32 $0x1, s10;
	s11 =	smov.u32 s14;
	[sflag:s13] =	ssyncadd.s32 @!p0 $0xFFFFFFF0  }
0x28: {  	_ =	sfence.sel $0x180000  }
0x29: {  	s2 =	simm.s32 $0x2;
	[bflag:$0x0] =	sbarrier.arrive $0xFFFF  }
0x2a: {  	s30 =	simm.s32 $0x3;
	[sflag:s2] =	ssyncpa.u1 $0x1  }
0x2b: {  	s31 =	simm.s32 $0x1;
	[sflag:s30] =	ssyncpa.u1 $0x1  }
0x2c: {  	[sflag:s31] =	ssyncpa.u1 $0x1  }
0x2d: {  	p0 =	sne.s32 s1, $0x0;
	_ =	strace $0x9000004D  }
0x2e: {  	s0 =	sadd.s32 @!p0 $0x100000, s0;
	[bflag:$0x2] =	sbarrier.arrive $0xFFFF  }
0x2f: {  	[sflag:s0] =	ssyncadd.tile.s32 @!p0 $0x1;
	_ =	shalt  }
.Lfunc_end2:
_tile_overlayer_lowered:
.L_overlay_start_2:
0x30: {  	(tag) =	ssettag $0x2  }
0x31: {  	s0 =	rddreg [dreg:$0x0];
	s2 =	stileid.u32  }
0x32: {  	s1 =	rddreg [dreg:$0x1];
	p0 =	sne.s32 s2, $0x0  }
0x33: {  	s3 =	rddreg [dreg:$0x2];
	[bflag:$0x3] =	sbarrier.arrive $0xFFFF;
	s2 =	simm.s32 @!p0 $0x1C01  }
0x34: {  	[timem:s3], [sflag:s2] =	dma.local @!p0 [hbm:s0], s1  }
0x35: {  	s0 =	simm.s32 @!p0 $0x1  }
0x36: {  	_ =	swait.ge @!p0 [sflag:s0], s1  }
0x37: {  	s1 =	ssub.s32 @!p0 $0x0, s1;
	[sflag:s0] =	ssyncset.done @!p0 $0x0  }
0x38: {  	[sflag:s0] =	ssyncadd.s32 @!p0 s1  }
0x39: {  	[bflag:$0x3] =	sbarrier.arrive $0xFFFF  }
0x3a: {  	_ =	shalt  }

</sc_bundles>
